<compile_context>
chip_gen: v7x
topology: tpu7x:2x2x1
jax: 0.10.2.dev20260603
libtpu: 0.0.44.dev20260713+nightly
codegen_flags: <defaults>
</compile_context>

<pallas_src>
import functools

import jax
import jax.numpy as jnp
from jax import lax
from jax.experimental import pallas as pl
from jax.experimental.pallas import tpu as pltpu
from jax.experimental.pallas import tpu_sc as plsc

N = 10000
NFEAT = 128
NHID = 64
NEDGE = 320000

NC = 2
NS = 16
NW = NC * NS
EB = 128
NE2 = NEDGE + N
NB = -(-NE2 // (NW * EB))
NB += NB % 2
NE_PAD = NW * EB * NB
N_PAD = 10240
RPT = N_PAD // NS
BM = 256


def _sc_mesh():
    return plsc.VectorSubcoreMesh(core_axis_name="c", subcore_axis_name="s")


@functools.partial(
    pl.kernel,
    out_type=jax.ShapeDtypeStruct((NC * N_PAD, NFEAT), jnp.float32),
    mesh=_sc_mesh(),
    scratch_types=[
        pltpu.VMEM((NB, EB), jnp.int32),
        pltpu.VMEM((EB, NFEAT), jnp.float32),
        pltpu.VMEM_SHARED((N_PAD, NFEAT), jnp.float32),
    ],
)
def _deg_kernel(dst_hbm, ones_hbm, zeros_hbm, out_hbm, idx_d, ones_v, acc):
    c = lax.axis_index("c")
    s = lax.axis_index("s")
    wid = c * NS + s
    row0 = s * RPT
    pltpu.sync_copy(zeros_hbm.at[pl.ds(row0, RPT)], acc.at[pl.ds(row0, RPT)])
    pltpu.sync_copy(dst_hbm.at[wid], idx_d)
    pltpu.sync_copy(ones_hbm, ones_v)
    plsc.subcore_barrier()

    def body(i, carry):
        pltpu.sync_copy(ones_v, acc.at[idx_d.at[i]], add=True)
        return carry

    lax.fori_loop(0, NB, body, 0)
    plsc.subcore_barrier()
    pltpu.sync_copy(acc.at[pl.ds(row0, RPT)],
                    out_hbm.at[pl.ds(c * N_PAD + row0, RPT)])


def _make_prop(D):
    @functools.partial(
        pl.kernel,
        out_type=jax.ShapeDtypeStruct((NC * N_PAD, D), jnp.float32),
        mesh=_sc_mesh(),
        scratch_types=[
            pltpu.VMEM((NB, EB), jnp.int32),
            pltpu.VMEM((NB, EB), jnp.int32),
            pltpu.VMEM((EB, D), jnp.float32),
            pltpu.VMEM_SHARED((N_PAD, D), jnp.float32),
            pltpu.SemaphoreType.DMA,
        ],
    )
    def prop(g_hbm, src_hbm, dst_hbm, zeros_hbm, out_hbm,
             idx_s, idx_d, rows0, acc, sem0):
        c = lax.axis_index("c")
        s = lax.axis_index("s")
        wid = c * NS + s
        row0 = s * RPT
        pltpu.sync_copy(zeros_hbm.at[pl.ds(row0, RPT)],
                        acc.at[pl.ds(row0, RPT)])
        pltpu.sync_copy(src_hbm.at[wid], idx_s)
        pltpu.sync_copy(dst_hbm.at[wid], idx_d)
        plsc.subcore_barrier()

        def body(i, carry):
            pltpu.async_copy(g_hbm.at[idx_s.at[i]], rows0, sem0).wait()
            pltpu.sync_copy(rows0, acc.at[idx_d.at[i]], add=True)
            return carry

        lax.fori_loop(0, NB, body, 0)
        plsc.subcore_barrier()
        pltpu.sync_copy(acc.at[pl.ds(row0, RPT)],
                        out_hbm.at[pl.ds(c * N_PAD + row0, RPT)])

    return prop


_prop128 = _make_prop(NFEAT)


_GRID = N_PAD // BM


def _row_spec(w, off=0):
    return pl.BlockSpec((BM, w), lambda i, o=off: (i + o, 0))


def _full_spec(r, w):
    return pl.BlockSpec((r, w), lambda i: (0, 0))


def _stage_a_body(d0, d1, x, w, dinv_o, g_o):
    deg = d0[:, 0:1] + d1[:, 0:1]
    dinv = lax.rsqrt(jnp.maximum(deg, 1.0))
    h = jnp.dot(x[...], w[...], preferred_element_type=jnp.float32)
    dinv_o[...] = dinv
    g_o[...] = jnp.concatenate(
        [h * dinv, jnp.zeros((BM, NFEAT - NHID), jnp.float32)], axis=1)


def _stage_a(deg_parts, x_pad, W):
    return pl.pallas_call(
        _stage_a_body,
        grid=(_GRID,),
        in_specs=[_row_spec(NFEAT), _row_spec(NFEAT, _GRID), _row_spec(NFEAT),
                  _full_spec(NFEAT, NHID)],
        out_specs=[_row_spec(1), _row_spec(NFEAT)],
        out_shape=[jax.ShapeDtypeStruct((N_PAD, 1), jnp.float32),
                   jax.ShapeDtypeStruct((N_PAD, NFEAT), jnp.float32)],
    )(deg_parts, deg_parts, x_pad, W)


def _stage_b_body(p0, p1, dinv, b, w, g_o):
    t = jax.nn.relu(dinv[...] * (p0[...] + p1[...])[:, :NHID] + b[...])
    g = dinv[...] * jnp.dot(t, w[...], preferred_element_type=jnp.float32)
    g_o[...] = jnp.concatenate(
        [g, jnp.zeros((BM, NFEAT - NHID), jnp.float32)], axis=1)


def _stage_b(parts, dinv, b, W):
    return pl.pallas_call(
        _stage_b_body,
        grid=(_GRID,),
        in_specs=[_row_spec(NFEAT), _row_spec(NFEAT, _GRID), _row_spec(1),
                  _full_spec(1, NHID), _full_spec(NHID, NHID)],
        out_specs=_row_spec(NFEAT),
        out_shape=jax.ShapeDtypeStruct((N_PAD, NFEAT), jnp.float32),
    )(parts, parts, dinv, b, W)


def _stage_b2_body(p0, p1, dinv, b, wa, ws, g_o):
    t = jax.nn.relu(dinv[...] * (p0[...] + p1[...])[:, :NHID] + b[...])
    ga = jnp.dot(t, wa[...], preferred_element_type=jnp.float32)
    gs = jnp.dot(t, ws[...], preferred_element_type=jnp.float32)
    g_o[...] = dinv[...] * jnp.concatenate([ga, gs], axis=1)


def _stage_b2(parts, dinv, b, Wa, Ws):
    return pl.pallas_call(
        _stage_b2_body,
        grid=(_GRID,),
        in_specs=[_row_spec(NFEAT), _row_spec(NFEAT, _GRID), _row_spec(1),
                  _full_spec(1, NHID), _full_spec(NHID, NHID),
                  _full_spec(NHID, NHID)],
        out_specs=_row_spec(NFEAT),
        out_shape=jax.ShapeDtypeStruct((N_PAD, NFEAT), jnp.float32),
    )(parts, parts, dinv, b, Wa, Ws)


def _stage_c_body(p0, p1, dinv, ba, bs, wa2, g_o, s_o):
    m = dinv[...] * (p0[...] + p1[...])
    xa = jax.nn.relu(m[:, :NHID] + ba[...])
    sv = jax.nn.relu(m[:, NHID:] + bs[...])
    g_o[...] = dinv[...] * jnp.dot(xa, wa2[...],
                                   preferred_element_type=jnp.float32)
    s_o[...] = sv


def _stage_c(parts, dinv, ba, bs, Wa2):
    return pl.pallas_call(
        _stage_c_body,
        grid=(_GRID,),
        in_specs=[_row_spec(NFEAT), _row_spec(NFEAT, _GRID), _row_spec(1),
                  _full_spec(1, NHID), _full_spec(1, NHID),
                  _full_spec(NHID, NFEAT)],
        out_specs=[_row_spec(NFEAT), _row_spec(NHID)],
        out_shape=[jax.ShapeDtypeStruct((N_PAD, NFEAT), jnp.float32),
                   jax.ShapeDtypeStruct((N_PAD, NHID), jnp.float32)],
    )(parts, parts, dinv, ba, bs, Wa2)


def _stage_d_body(p0, p1, dinv, b, xh_o):
    xh_o[...] = jax.nn.relu(dinv[...] * (p0[...] + p1[...]) + b[...])


def _stage_d(parts, dinv, b):
    return pl.pallas_call(
        _stage_d_body,
        grid=(_GRID,),
        in_specs=[_row_spec(NFEAT), _row_spec(NFEAT, _GRID), _row_spec(1),
                  _full_spec(1, NFEAT)],
        out_specs=_row_spec(NFEAT),
        out_shape=jax.ShapeDtypeStruct((N_PAD, NFEAT), jnp.float32),
    )(parts, parts, dinv, b)


def _ahat_body(a, bt, o):
    o[...] = jnp.dot(a[...], bt[...], preferred_element_type=jnp.float32)


def _ahat(s2, st):
    grid = -(-N // BM)
    return pl.pallas_call(
        _ahat_body,
        grid=(grid,),
        in_specs=[pl.BlockSpec((BM, NHID), lambda i: (i, 0)),
                  pl.BlockSpec((NHID, N), lambda i: (0, 0))],
        out_specs=pl.BlockSpec((BM, N), lambda i: (i, 0)),
        out_shape=jax.ShapeDtypeStruct((N, N), jnp.float32),
    )(s2, st)


def kernel(x, edge_index, W_e1, b_e1, W_e2, b_e2, W_a1, b_a1, W_a2, b_a2,
           W_s1, b_s1):
    sl = jnp.arange(N, dtype=edge_index.dtype)
    pad = jnp.full((NE_PAD - NE2,), N, edge_index.dtype)
    src_flat = jnp.concatenate([edge_index[0], sl, pad])
    dst_flat = jnp.concatenate([edge_index[1], sl, pad])
    src = src_flat.reshape(NW, NB, EB)
    dst = dst_flat.reshape(NW, NB, EB)
    dst3 = dst

    x_pad = jnp.zeros((N_PAD, NFEAT), jnp.float32).at[:N].set(x)
    z128 = jnp.zeros((N_PAD, NFEAT), jnp.float32)
    ones128 = jnp.ones((EB, NFEAT), jnp.float32)

    deg_parts = _deg_kernel(dst3, ones128, z128)
    dinv, g1 = _stage_a(deg_parts, x_pad, W_e1)

    p1 = _prop128(g1, src, dst, z128)
    g2 = _stage_b(p1, dinv, b_e1.reshape(1, -1), W_e2)

    p2 = _prop128(g2, src, dst, z128)
    g_as = _stage_b2(p2, dinv, b_e2.reshape(1, -1), W_a1, W_s1)

    p_as = _prop128(g_as, src, dst, z128)
    g_a2, s_pad = _stage_c(p_as, dinv, b_a1.reshape(1, -1),
                           b_s1.reshape(1, -1), W_a2)

    p_a2 = _prop128(g_a2, src, dst, z128)
    x_hat = _stage_d(p_a2, dinv, b_a2.reshape(1, -1))[:N]

    s2 = s_pad[:N]
    A_hat = _ahat(s2, s2.T)
    return (A_hat, x_hat)

# --- scband reference (transcript-rebuilt; emitter-appended) ---
"""Pipeline reference for scband-dominant-31181462569206 (READ-ONLY COPY).

The authoritative reference and input builder live on the scoring server;
editing this copy changes nothing except your own understanding.
"""

import jax, jax.numpy as jnp
import numpy as np

N = 10000
NFEAT = 128
NHID = 64
NEDGE = 320000

def gcn_conv(x, edge_index, W, b):
    n = x.shape[0]
    sl = jnp.arange(n, dtype=edge_index.dtype)
    src = jnp.concatenate([edge_index[0], sl])
    dst = jnp.concatenate([edge_index[1], sl])
    deg = jnp.zeros((n,), jnp.float32).at[dst].add(1.0)
    dinv = jnp.where(deg > 0, 1.0 / jnp.sqrt(deg), 0.0)
    norm = dinv[src] * dinv[dst]
    h = x @ W
    msg = h[src] * norm[:, None]
    out = jnp.zeros((n, W.shape[1]), jnp.float32).at[dst].add(msg)
    return out + b

def setup_inputs(seed: int = 0):
    key = jax.random.key(seed)
    ks = jax.random.split(key, 12)
    inp = {}
    inp["x"] = jax.random.normal(ks[0], (N, NFEAT), jnp.float32)
    inp["edge_index"] = jax.random.randint(ks[1], (2, NEDGE), 0, N, dtype=jnp.int32)
    inp["W_e1"] = jax.random.normal(ks[2], (NFEAT, NHID), jnp.float32) * (1.0 / np.sqrt(NFEAT))
    inp["b_e1"] = jnp.zeros((NHID,), jnp.float32)
    inp["W_e2"] = jax.random.normal(ks[3], (NHID, NHID), jnp.float32) * (1.0 / np.sqrt(NHID))
    inp["b_e2"] = jnp.zeros((NHID,), jnp.float32)
    inp["W_a1"] = jax.random.normal(ks[4], (NHID, NHID), jnp.float32) * (1.0 / np.sqrt(NHID))
    inp["b_a1"] = jnp.zeros((NHID,), jnp.float32)
    inp["W_a2"] = jax.random.normal(ks[5], (NHID, NFEAT), jnp.float32) * (1.0 / np.sqrt(NHID))
    inp["b_a2"] = jnp.zeros((NFEAT,), jnp.float32)
    inp["W_s1"] = jax.random.normal(ks[6], (NHID, NHID), jnp.float32) * (1.0 / np.sqrt(NHID))
    inp["b_s1"] = jnp.zeros((NHID,), jnp.float32)
    return inp

def reference(x, edge_index, W_e1, b_e1, W_e2, b_e2, W_a1, b_a1, W_a2, b_a2, W_s1, b_s1):
    # Encoder: two GCN layers with ReLU (dropout p=0.0 -> identity)
    h = jax.nn.relu(gcn_conv(x, edge_index, W_e1, b_e1))
    h = jax.nn.relu(gcn_conv(h, edge_index, W_e2, b_e2))
    # Attribute decoder: two GCN layers with ReLU
    xa = jax.nn.relu(gcn_conv(h, edge_index, W_a1, b_a1))
    x_hat = jax.nn.relu(gcn_conv(xa, edge_index, W_a2, b_a2))
    # Structure decoder: one GCN layer with ReLU, then inner product x @ x.T
    s = jax.nn.relu(gcn_conv(h, edge_index, W_s1, b_s1))
    A_hat = s @ s.T
    return (A_hat, x_hat)

if __name__ == "__main__":
    import jax
    _d = setup_inputs()
    print(jax.jit(kernel)(*tuple(_d.values())))

</pallas_src>

<mosaic_0001>
#map = affine_map<(d0, d1) -> (0, 0, 0)>
#map1 = affine_map<(d0, d1) -> (0, 0)>
module attributes {stable_mosaic.version = 14 : i64} {
  func.func @_deg_kernel(%arg0: i32, %arg1: i32, %arg2: memref<32x82x128xi32, #tpu.memory_space<hbm>>, %arg3: memref<128x128xf32, #tpu.memory_space<hbm>>, %arg4: memref<10240x128xf32, #tpu.memory_space<hbm>>, %arg5: memref<20480x128xf32, #tpu.memory_space<hbm>>, %arg6: memref<82x128xi32, #tpu.memory_space<vmem>>, %arg7: memref<128x128xf32, #tpu.memory_space<vmem>>, %arg8: memref<10240x128xf32, #tpu.memory_space<vmem_shared>>) attributes {dimension_semantics = [#tpu.dimension_semantics<core_parallel>, #tpu.dimension_semantics<subcore_parallel>], iteration_bounds = array<i64: 2, 16>, scalar_prefetch = 0 : i64, scratch_operands = 3 : i64, tpu.core_type = #tpu.core_type<sc_vector_subcore>, window_params = [{transform_indices = #map}, {transform_indices = #map1}, {transform_indices = #map1}, {transform_indices = #map1}]} {
    %mul3A = arith.constant 16 : i32
    %mul3A_0 = arith.muli %arg0, %mul3A : i32
    %add3A = arith.addi %mul3A_0, %arg1 : i32
    %mul3A_1 = arith.constant 640 : i32
    %mul3A_2 = arith.muli %arg1, %mul3A_1 : i32
    "tpu.region"() ({
      %run_scoped3A = tpu.sem_alloc : memref<!tpu.dma_semaphore, #tpu.memory_space<semaphore_mem>>
      %dma_start3A = arith.constant 0 : i32
      %dma_start3A_12 = tpu.memref_slice %arg8[%mul3A_2, %dma_start3A] : memref<10240x128xf32, #tpu.memory_space<vmem_shared>> -> memref<640x128xf32, #tpu.memory_space<vmem_shared>>
      %dma_start3A_13 = arith.constant 0 : i32
      %dma_start3A_14 = tpu.memref_slice %arg4[%mul3A_2, %dma_start3A_13] : memref<10240x128xf32, #tpu.memory_space<hbm>> -> memref<640x128xf32, #tpu.memory_space<hbm>>
      tpu.enqueue_dma source(%dma_start3A_14 : memref<640x128xf32, #tpu.memory_space<hbm>>) target(%dma_start3A_12 : memref<640x128xf32, #tpu.memory_space<vmem_shared>>) target_semaphore(%run_scoped3A : memref<!tpu.dma_semaphore, #tpu.memory_space<semaphore_mem>>)
      %dma_wait3A = arith.constant 0 : i32
      %dma_wait3A_15 = tpu.memref_slice %arg8[%mul3A_2, %dma_wait3A] : memref<10240x128xf32, #tpu.memory_space<vmem_shared>> -> memref<640x128xf32, #tpu.memory_space<vmem_shared>>
      %dma_wait3A_16 = arith.constant 0 : i32
      %dma_wait3A_17 = tpu.memref_slice %arg4[%mul3A_2, %dma_wait3A_16] : memref<10240x128xf32, #tpu.memory_space<hbm>> -> memref<640x128xf32, #tpu.memory_space<hbm>>
      tpu.wait_dma2 semaphore(%run_scoped3A : memref<!tpu.dma_semaphore, #tpu.memory_space<semaphore_mem>>) src(%dma_wait3A_17 : memref<640x128xf32, #tpu.memory_space<hbm>>) dst(%dma_wait3A_15 : memref<640x128xf32, #tpu.memory_space<vmem_shared>>)
      tpu.yield
    }) : () -> ()
    "tpu.region"() ({
      %run_scoped3A = tpu.sem_alloc : memref<!tpu.dma_semaphore, #tpu.memory_space<semaphore_mem>>
      %dma_start3A = arith.constant 0 : i32
      %dma_start3A_12 = arith.constant 0 : i32
      %dma_start3A_13 = tpu.memref_slice %arg2[%add3A, %dma_start3A, %dma_start3A_12] : memref<32x82x128xi32, #tpu.memory_space<hbm>> -> memref<1x82x128xi32, #tpu.memory_space<hbm>>
      %dma_start3A_14 = tpu.memref_squeeze %dma_start3A_13 : memref<1x82x128xi32, #tpu.memory_space<hbm>> -> memref<82x128xi32, #tpu.memory_space<hbm>>
      %dma_start3A_15 = arith.constant 0 : i32
      %dma_start3A_16 = arith.constant 0 : i32
      %dma_start3A_17 = tpu.memref_slice %arg2[%add3A, %dma_start3A_15, %dma_start3A_16] : memref<32x82x128xi32, #tpu.memory_space<hbm>> -> memref<1x82x128xi32, #tpu.memory_space<hbm>>
      %dma_start3A_18 = tpu.memref_squeeze %dma_start3A_17 : memref<1x82x128xi32, #tpu.memory_space<hbm>> -> memref<82x128xi32, #tpu.memory_space<hbm>>
      tpu.enqueue_dma source(%dma_start3A_18 : memref<82x128xi32, #tpu.memory_space<hbm>>) target(%arg6 : memref<82x128xi32, #tpu.memory_space<vmem>>) target_semaphore(%run_scoped3A : memref<!tpu.dma_semaphore, #tpu.memory_space<semaphore_mem>>)
      %dma_wait3A = arith.constant 0 : i32
      %dma_wait3A_19 = arith.constant 0 : i32
      %dma_wait3A_20 = tpu.memref_slice %arg2[%add3A, %dma_wait3A, %dma_wait3A_19] : memref<32x82x128xi32, #tpu.memory_space<hbm>> -> memref<1x82x128xi32, #tpu.memory_space<hbm>>
      %dma_wait3A_21 = tpu.memref_squeeze %dma_wait3A_20 : memref<1x82x128xi32, #tpu.memory_space<hbm>> -> memref<82x128xi32, #tpu.memory_space<hbm>>
      %dma_wait3A_22 = arith.constant 0 : i32
      %dma_wait3A_23 = arith.constant 0 : i32
      %dma_wait3A_24 = tpu.memref_slice %arg2[%add3A, %dma_wait3A_22, %dma_wait3A_23] : memref<32x82x128xi32, #tpu.memory_space<hbm>> -> memref<1x82x128xi32, #tpu.memory_space<hbm>>
      %dma_wait3A_25 = tpu.memref_squeeze %dma_wait3A_24 : memref<1x82x128xi32, #tpu.memory_space<hbm>> -> memref<82x128xi32, #tpu.memory_space<hbm>>
      tpu.wait_dma2 semaphore(%run_scoped3A : memref<!tpu.dma_semaphore, #tpu.memory_space<semaphore_mem>>) src(%dma_wait3A_25 : memref<82x128xi32, #tpu.memory_space<hbm>>) dst(%arg6 : memref<82x128xi32, #tpu.memory_space<vmem>>)
      tpu.yield
    }) : () -> ()
    "tpu.region"() ({
      %run_scoped3A = tpu.sem_alloc : memref<!tpu.dma_semaphore, #tpu.memory_space<semaphore_mem>>
      tpu.enqueue_dma source(%arg3 : memref<128x128xf32, #tpu.memory_space<hbm>>) target(%arg7 : memref<128x128xf32, #tpu.memory_space<vmem>>) target_semaphore(%run_scoped3A : memref<!tpu.dma_semaphore, #tpu.memory_space<semaphore_mem>>)
      tpu.wait_dma2 semaphore(%run_scoped3A : memref<!tpu.dma_semaphore, #tpu.memory_space<semaphore_mem>>) src(%arg3 : memref<128x128xf32, #tpu.memory_space<hbm>>) dst(%arg7 : memref<128x128xf32, #tpu.memory_space<vmem>>)
      tpu.yield
    }) : () -> ()
    %barrier3A = arith.constant 0 : index
    tpu.barrier barrier_id(%barrier3A)
    %scan3A = arith.constant 0 : i32
    %scan3A_3 = arith.constant 0 : i32
    %scan3A_4 = arith.constant 82 : i32
    %scan3A_5 = arith.addi %scan3A_3, %scan3A_4 : i32
    %scan3A_6 = arith.constant 1 : i32
    scf.for %scan3A_12 = %scan3A_3 to %scan3A_5 step %scan3A_6  : i32 {
      "tpu.region"() ({
        %run_scoped3A = tpu.sem_alloc : memref<!tpu.dma_semaphore, #tpu.memory_space<semaphore_mem>>
        %dma_start3A = arith.constant 0 : i32
        %dma_start3A_13 = tpu.memref_slice %arg6[%scan3A_12, %dma_start3A] : memref<82x128xi32, #tpu.memory_space<vmem>> -> memref<1x128xi32, #tpu.memory_space<vmem>>
        %dma_start3A_14 = tpu.memref_squeeze %dma_start3A_13 : memref<1x128xi32, #tpu.memory_space<vmem>> -> memref<128xi32, #tpu.memory_space<vmem>>
        %dma_start3A_15 = arith.constant 0 : i32
        %dma_start3A_16 = arith.constant 0 : i32
        %dma_start3A_17 = tpu.memref_slice %arg8[%dma_start3A_15, %dma_start3A_16] : memref<10240x128xf32, #tpu.memory_space<vmem_shared>> -> memref<10240x128xf32, #tpu.memory_space<vmem_shared>>
        tpu.enqueue_indirect_dma source(%arg7 : memref<128x128xf32, #tpu.memory_space<vmem>>) target(%dma_start3A_17 : memref<10240x128xf32, #tpu.memory_space<vmem_shared>>) offsets(%dma_start3A_14 : memref<128xi32, #tpu.memory_space<vmem>>) semaphore(%run_scoped3A : memref<!tpu.dma_semaphore, #tpu.memory_space<semaphore_mem>>) {add = true}
        %dma_wait3A = arith.constant 0 : i32
        %dma_wait3A_18 = tpu.memref_slice %arg6[%scan3A_12, %dma_wait3A] : memref<82x128xi32, #tpu.memory_space<vmem>> -> memref<1x128xi32, #tpu.memory_space<vmem>>
        %dma_wait3A_19 = tpu.memref_squeeze %dma_wait3A_18 : memref<1x128xi32, #tpu.memory_space<vmem>> -> memref<128xi32, #tpu.memory_space<vmem>>
        %dma_wait3A_20 = arith.constant 0 : i32
        %dma_wait3A_21 = arith.constant 0 : i32
        %dma_wait3A_22 = tpu.memref_slice %arg8[%dma_wait3A_20, %dma_wait3A_21] : memref<10240x128xf32, #tpu.memory_space<vmem_shared>> -> memref<10240x128xf32, #tpu.memory_space<vmem_shared>>
        tpu.wait_indirect_dma semaphore(%run_scoped3A : memref<!tpu.dma_semaphore, #tpu.memory_space<semaphore_mem>>) src(%arg7 : memref<128x128xf32, #tpu.memory_space<vmem>>) dst(%dma_wait3A_22 : memref<10240x128xf32, #tpu.memory_space<vmem_shared>>)
        tpu.yield
      }) : () -> ()
    }
    %scan3A_7 = arith.constant 82 : i32
    %barrier3A_8 = arith.constant 0 : index
    tpu.barrier barrier_id(%barrier3A_8)
    %mul3A_9 = arith.constant 10240 : i32
    %mul3A_10 = arith.muli %arg0, %mul3A_9 : i32
    %add3A_11 = arith.addi %mul3A_10, %mul3A_2 : i32
    "tpu.region"() ({
      %run_scoped3A = tpu.sem_alloc : memref<!tpu.dma_semaphore, #tpu.memory_space<semaphore_mem>>
      %dma_start3A = arith.constant 0 : i32
      %dma_start3A_12 = tpu.memref_slice %arg5[%add3A_11, %dma_start3A] : memref<20480x128xf32, #tpu.memory_space<hbm>> -> memref<640x128xf32, #tpu.memory_space<hbm>>
      %dma_start3A_13 = arith.constant 0 : i32
      %dma_start3A_14 = tpu.memref_slice %arg8[%mul3A_2, %dma_start3A_13] : memref<10240x128xf32, #tpu.memory_space<vmem_shared>> -> memref<640x128xf32, #tpu.memory_space<vmem_shared>>
      tpu.enqueue_dma source(%dma_start3A_14 : memref<640x128xf32, #tpu.memory_space<vmem_shared>>) target(%dma_start3A_12 : memref<640x128xf32, #tpu.memory_space<hbm>>) target_semaphore(%run_scoped3A : memref<!tpu.dma_semaphore, #tpu.memory_space<semaphore_mem>>)
      %dma_wait3A = arith.constant 0 : i32
      %dma_wait3A_15 = tpu.memref_slice %arg5[%add3A_11, %dma_wait3A] : memref<20480x128xf32, #tpu.memory_space<hbm>> -> memref<640x128xf32, #tpu.memory_space<hbm>>
      %dma_wait3A_16 = arith.constant 0 : i32
      %dma_wait3A_17 = tpu.memref_slice %arg8[%mul3A_2, %dma_wait3A_16] : memref<10240x128xf32, #tpu.memory_space<vmem_shared>> -> memref<640x128xf32, #tpu.memory_space<vmem_shared>>
      tpu.wait_dma2 semaphore(%run_scoped3A : memref<!tpu.dma_semaphore, #tpu.memory_space<semaphore_mem>>) src(%dma_wait3A_17 : memref<640x128xf32, #tpu.memory_space<vmem_shared>>) dst(%dma_wait3A_15 : memref<640x128xf32, #tpu.memory_space<hbm>>)
      tpu.yield
    }) : () -> ()
    return
  }
}

#map = affine_map<(d0, d1) -> (0, 0)>
#map1 = affine_map<(d0, d1) -> (0, 0, 0)>
module attributes {stable_mosaic.version = 14 : i64} {
  func.func @prop(%arg0: i32, %arg1: i32, %arg2: memref<10240x128xf32, #tpu.memory_space<hbm>>, %arg3: memref<32x82x128xi32, #tpu.memory_space<hbm>>, %arg4: memref<32x82x128xi32, #tpu.memory_space<hbm>>, %arg5: memref<10240x128xf32, #tpu.memory_space<hbm>>, %arg6: memref<20480x128xf32, #tpu.memory_space<hbm>>, %arg7: memref<82x128xi32, #tpu.memory_space<vmem>>, %arg8: memref<82x128xi32, #tpu.memory_space<vmem>>, %arg9: memref<128x128xf32, #tpu.memory_space<vmem>>, %arg10: memref<10240x128xf32, #tpu.memory_space<vmem_shared>>, %arg11: memref<!tpu.dma_semaphore, #tpu.memory_space<semaphore_mem>>) attributes {dimension_semantics = [#tpu.dimension_semantics<core_parallel>, #tpu.dimension_semantics<subcore_parallel>], iteration_bounds = array<i64: 2, 16>, scalar_prefetch = 0 : i64, scratch_operands = 5 : i64, tpu.core_type = #tpu.core_type<sc_vector_subcore>, window_params = [{transform_indices = #map}, {transform_indices = #map1}, {transform_indices = #map1}, {transform_indices = #map}, {transform_indices = #map}]} {
    %mul3A = arith.constant 16 : i32
    %mul3A_0 = arith.muli %arg0, %mul3A : i32
    %add3A = arith.addi %mul3A_0, %arg1 : i32
    %mul3A_1 = arith.constant 640 : i32
    %mul3A_2 = arith.muli %arg1, %mul3A_1 : i32
    "tpu.region"() ({
      %run_scoped3A = tpu.sem_alloc : memref<!tpu.dma_semaphore, #tpu.memory_space<semaphore_mem>>
      %dma_start3A = arith.constant 0 : i32
      %dma_start3A_12 = tpu.memref_slice %arg10[%mul3A_2, %dma_start3A] : memref<10240x128xf32, #tpu.memory_space<vmem_shared>> -> memref<640x128xf32, #tpu.memory_space<vmem_shared>>
      %dma_start3A_13 = arith.constant 0 : i32
      %dma_start3A_14 = tpu.memref_slice %arg5[%mul3A_2, %dma_start3A_13] : memref<10240x128xf32, #tpu.memory_space<hbm>> -> memref<640x128xf32, #tpu.memory_space<hbm>>
      tpu.enqueue_dma source(%dma_start3A_14 : memref<640x128xf32, #tpu.memory_space<hbm>>) target(%dma_start3A_12 : memref<640x128xf32, #tpu.memory_space<vmem_shared>>) target_semaphore(%run_scoped3A : memref<!tpu.dma_semaphore, #tpu.memory_space<semaphore_mem>>)
      %dma_wait3A = arith.constant 0 : i32
      %dma_wait3A_15 = tpu.memref_slice %arg10[%mul3A_2, %dma_wait3A] : memref<10240x128xf32, #tpu.memory_space<vmem_shared>> -> memref<640x128xf32, #tpu.memory_space<vmem_shared>>
      %dma_wait3A_16 = arith.constant 0 : i32
      %dma_wait3A_17 = tpu.memref_slice %arg5[%mul3A_2, %dma_wait3A_16] : memref<10240x128xf32, #tpu.memory_space<hbm>> -> memref<640x128xf32, #tpu.memory_space<hbm>>
      tpu.wait_dma2 semaphore(%run_scoped3A : memref<!tpu.dma_semaphore, #tpu.memory_space<semaphore_mem>>) src(%dma_wait3A_17 : memref<640x128xf32, #tpu.memory_space<hbm>>) dst(%dma_wait3A_15 : memref<640x128xf32, #tpu.memory_space<vmem_shared>>)
      tpu.yield
    }) : () -> ()
    "tpu.region"() ({
      %run_scoped3A = tpu.sem_alloc : memref<!tpu.dma_semaphore, #tpu.memory_space<semaphore_mem>>
      %dma_start3A = arith.constant 0 : i32
      %dma_start3A_12 = arith.constant 0 : i32
      %dma_start3A_13 = tpu.memref_slice %arg3[%add3A, %dma_start3A, %dma_start3A_12] : memref<32x82x128xi32, #tpu.memory_space<hbm>> -> memref<1x82x128xi32, #tpu.memory_space<hbm>>
      %dma_start3A_14 = tpu.memref_squeeze %dma_start3A_13 : memref<1x82x128xi32, #tpu.memory_space<hbm>> -> memref<82x128xi32, #tpu.memory_space<hbm>>
      %dma_start3A_15 = arith.constant 0 : i32
      %dma_start3A_16 = arith.constant 0 : i32
      %dma_start3A_17 = tpu.memref_slice %arg3[%add3A, %dma_start3A_15, %dma_start3A_16] : memref<32x82x128xi32, #tpu.memory_space<hbm>> -> memref<1x82x128xi32, #tpu.memory_space<hbm>>
      %dma_start3A_18 = tpu.memref_squeeze %dma_start3A_17 : memref<1x82x128xi32, #tpu.memory_space<hbm>> -> memref<82x128xi32, #tpu.memory_space<hbm>>
      tpu.enqueue_dma source(%dma_start3A_18 : memref<82x128xi32, #tpu.memory_space<hbm>>) target(%arg7 : memref<82x128xi32, #tpu.memory_space<vmem>>) target_semaphore(%run_scoped3A : memref<!tpu.dma_semaphore, #tpu.memory_space<semaphore_mem>>)
      %dma_wait3A = arith.constant 0 : i32
      %dma_wait3A_19 = arith.constant 0 : i32
      %dma_wait3A_20 = tpu.memref_slice %arg3[%add3A, %dma_wait3A, %dma_wait3A_19] : memref<32x82x128xi32, #tpu.memory_space<hbm>> -> memref<1x82x128xi32, #tpu.memory_space<hbm>>
      %dma_wait3A_21 = tpu.memref_squeeze %dma_wait3A_20 : memref<1x82x128xi32, #tpu.memory_space<hbm>> -> memref<82x128xi32, #tpu.memory_space<hbm>>
      %dma_wait3A_22 = arith.constant 0 : i32
      %dma_wait3A_23 = arith.constant 0 : i32
      %dma_wait3A_24 = tpu.memref_slice %arg3[%add3A, %dma_wait3A_22, %dma_wait3A_23] : memref<32x82x128xi32, #tpu.memory_space<hbm>> -> memref<1x82x128xi32, #tpu.memory_space<hbm>>
      %dma_wait3A_25 = tpu.memref_squeeze %dma_wait3A_24 : memref<1x82x128xi32, #tpu.memory_space<hbm>> -> memref<82x128xi32, #tpu.memory_space<hbm>>
      tpu.wait_dma2 semaphore(%run_scoped3A : memref<!tpu.dma_semaphore, #tpu.memory_space<semaphore_mem>>) src(%dma_wait3A_25 : memref<82x128xi32, #tpu.memory_space<hbm>>) dst(%arg7 : memref<82x128xi32, #tpu.memory_space<vmem>>)
      tpu.yield
    }) : () -> ()
    "tpu.region"() ({
      %run_scoped3A = tpu.sem_alloc : memref<!tpu.dma_semaphore, #tpu.memory_space<semaphore_mem>>
      %dma_start3A = arith.constant 0 : i32
      %dma_start3A_12 = arith.constant 0 : i32
      %dma_start3A_13 = tpu.memref_slice %arg4[%add3A, %dma_start3A, %dma_start3A_12] : memref<32x82x128xi32, #tpu.memory_space<hbm>> -> memref<1x82x128xi32, #tpu.memory_space<hbm>>
      %dma_start3A_14 = tpu.memref_squeeze %dma_start3A_13 : memref<1x82x128xi32, #tpu.memory_space<hbm>> -> memref<82x128xi32, #tpu.memory_space<hbm>>
      %dma_start3A_15 = arith.constant 0 : i32
      %dma_start3A_16 = arith.constant 0 : i32
      %dma_start3A_17 = tpu.memref_slice %arg4[%add3A, %dma_start3A_15, %dma_start3A_16] : memref<32x82x128xi32, #tpu.memory_space<hbm>> -> memref<1x82x128xi32, #tpu.memory_space<hbm>>
      %dma_start3A_18 = tpu.memref_squeeze %dma_start3A_17 : memref<1x82x128xi32, #tpu.memory_space<hbm>> -> memref<82x128xi32, #tpu.memory_space<hbm>>
      tpu.enqueue_dma source(%dma_start3A_18 : memref<82x128xi32, #tpu.memory_space<hbm>>) target(%arg8 : memref<82x128xi32, #tpu.memory_space<vmem>>) target_semaphore(%run_scoped3A : memref<!tpu.dma_semaphore, #tpu.memory_space<semaphore_mem>>)
      %dma_wait3A = arith.constant 0 : i32
      %dma_wait3A_19 = arith.constant 0 : i32
      %dma_wait3A_20 = tpu.memref_slice %arg4[%add3A, %dma_wait3A, %dma_wait3A_19] : memref<32x82x128xi32, #tpu.memory_space<hbm>> -> memref<1x82x128xi32, #tpu.memory_space<hbm>>
      %dma_wait3A_21 = tpu.memref_squeeze %dma_wait3A_20 : memref<1x82x128xi32, #tpu.memory_space<hbm>> -> memref<82x128xi32, #tpu.memory_space<hbm>>
      %dma_wait3A_22 = arith.constant 0 : i32
      %dma_wait3A_23 = arith.constant 0 : i32
      %dma_wait3A_24 = tpu.memref_slice %arg4[%add3A, %dma_wait3A_22, %dma_wait3A_23] : memref<32x82x128xi32, #tpu.memory_space<hbm>> -> memref<1x82x128xi32, #tpu.memory_space<hbm>>
      %dma_wait3A_25 = tpu.memref_squeeze %dma_wait3A_24 : memref<1x82x128xi32, #tpu.memory_space<hbm>> -> memref<82x128xi32, #tpu.memory_space<hbm>>
      tpu.wait_dma2 semaphore(%run_scoped3A : memref<!tpu.dma_semaphore, #tpu.memory_space<semaphore_mem>>) src(%dma_wait3A_25 : memref<82x128xi32, #tpu.memory_space<hbm>>) dst(%arg8 : memref<82x128xi32, #tpu.memory_space<vmem>>)
      tpu.yield
    }) : () -> ()
    %barrier3A = arith.constant 0 : index
    tpu.barrier barrier_id(%barrier3A)
    %scan3A = arith.constant 0 : i32
    %scan3A_3 = arith.constant 0 : i32
    %scan3A_4 = arith.constant 82 : i32
    %scan3A_5 = arith.addi %scan3A_3, %scan3A_4 : i32
    %scan3A_6 = arith.constant 1 : i32
    scf.for %scan3A_12 = %scan3A_3 to %scan3A_5 step %scan3A_6  : i32 {
      %dma_start3A = arith.constant 0 : i32
      %dma_start3A_13 = tpu.memref_slice %arg7[%scan3A_12, %dma_start3A] : memref<82x128xi32, #tpu.memory_space<vmem>> -> memref<1x128xi32, #tpu.memory_space<vmem>>
      %dma_start3A_14 = tpu.memref_squeeze %dma_start3A_13 : memref<1x128xi32, #tpu.memory_space<vmem>> -> memref<128xi32, #tpu.memory_space<vmem>>
      %dma_start3A_15 = arith.constant 0 : i32
      %dma_start3A_16 = arith.constant 0 : i32
      %dma_start3A_17 = tpu.memref_slice %arg2[%dma_start3A_15, %dma_start3A_16] : memref<10240x128xf32, #tpu.memory_space<hbm>> -> memref<10240x128xf32, #tpu.memory_space<hbm>>
      tpu.enqueue_indirect_dma source(%dma_start3A_17 : memref<10240x128xf32, #tpu.memory_space<hbm>>) target(%arg9 : memref<128x128xf32, #tpu.memory_space<vmem>>) offsets(%dma_start3A_14 : memref<128xi32, #tpu.memory_space<vmem>>) semaphore(%arg11 : memref<!tpu.dma_semaphore, #tpu.memory_space<semaphore_mem>>)
      %dma_wait3A = arith.constant 0 : i32
      %dma_wait3A_18 = tpu.memref_slice %arg7[%scan3A_12, %dma_wait3A] : memref<82x128xi32, #tpu.memory_space<vmem>> -> memref<1x128xi32, #tpu.memory_space<vmem>>
      %dma_wait3A_19 = tpu.memref_squeeze %dma_wait3A_18 : memref<1x128xi32, #tpu.memory_space<vmem>> -> memref<128xi32, #tpu.memory_space<vmem>>
      %dma_wait3A_20 = arith.constant 0 : i32
      %dma_wait3A_21 = arith.constant 0 : i32
      %dma_wait3A_22 = tpu.memref_slice %arg2[%dma_wait3A_20, %dma_wait3A_21] : memref<10240x128xf32, #tpu.memory_space<hbm>> -> memref<10240x128xf32, #tpu.memory_space<hbm>>
      tpu.wait_indirect_dma semaphore(%arg11 : memref<!tpu.dma_semaphore, #tpu.memory_space<semaphore_mem>>) src(%dma_wait3A_22 : memref<10240x128xf32, #tpu.memory_space<hbm>>) dst(%arg9 : memref<128x128xf32, #tpu.memory_space<vmem>>)
      "tpu.region"() ({
        %run_scoped3A = tpu.sem_alloc : memref<!tpu.dma_semaphore, #tpu.memory_space<semaphore_mem>>
        %dma_start3A_23 = arith.constant 0 : i32
        %dma_start3A_24 = tpu.memref_slice %arg8[%scan3A_12, %dma_start3A_23] : memref<82x128xi32, #tpu.memory_space<vmem>> -> memref<1x128xi32, #tpu.memory_space<vmem>>
        %dma_start3A_25 = tpu.memref_squeeze %dma_start3A_24 : memref<1x128xi32, #tpu.memory_space<vmem>> -> memref<128xi32, #tpu.memory_space<vmem>>
        %dma_start3A_26 = arith.constant 0 : i32
        %dma_start3A_27 = arith.constant 0 : i32
        %dma_start3A_28 = tpu.memref_slice %arg10[%dma_start3A_26, %dma_start3A_27] : memref<10240x128xf32, #tpu.memory_space<vmem_shared>> -> memref<10240x128xf32, #tpu.memory_space<vmem_shared>>
        tpu.enqueue_indirect_dma source(%arg9 : memref<128x128xf32, #tpu.memory_space<vmem>>) target(%dma_start3A_28 : memref<10240x128xf32, #tpu.memory_space<vmem_shared>>) offsets(%dma_start3A_25 : memref<128xi32, #tpu.memory_space<vmem>>) semaphore(%run_scoped3A : memref<!tpu.dma_semaphore, #tpu.memory_space<semaphore_mem>>) {add = true}
        %dma_wait3A_29 = arith.constant 0 : i32
        %dma_wait3A_30 = tpu.memref_slice %arg8[%scan3A_12, %dma_wait3A_29] : memref<82x128xi32, #tpu.memory_space<vmem>> -> memref<1x128xi32, #tpu.memory_space<vmem>>
        %dma_wait3A_31 = tpu.memref_squeeze %dma_wait3A_30 : memref<1x128xi32, #tpu.memory_space<vmem>> -> memref<128xi32, #tpu.memory_space<vmem>>
        %dma_wait3A_32 = arith.constant 0 : i32
        %dma_wait3A_33 = arith.constant 0 : i32
        %dma_wait3A_34 = tpu.memref_slice %arg10[%dma_wait3A_32, %dma_wait3A_33] : memref<10240x128xf32, #tpu.memory_space<vmem_shared>> -> memref<10240x128xf32, #tpu.memory_space<vmem_shared>>
        tpu.wait_indirect_dma semaphore(%run_scoped3A : memref<!tpu.dma_semaphore, #tpu.memory_space<semaphore_mem>>) src(%arg9 : memref<128x128xf32, #tpu.memory_space<vmem>>) dst(%dma_wait3A_34 : memref<10240x128xf32, #tpu.memory_space<vmem_shared>>)
        tpu.yield
      }) : () -> ()
    }
    %scan3A_7 = arith.constant 82 : i32
    %barrier3A_8 = arith.constant 0 : index
    tpu.barrier barrier_id(%barrier3A_8)
    %mul3A_9 = arith.constant 10240 : i32
    %mul3A_10 = arith.muli %arg0, %mul3A_9 : i32
    %add3A_11 = arith.addi %mul3A_10, %mul3A_2 : i32
    "tpu.region"() ({
      %run_scoped3A = tpu.sem_alloc : memref<!tpu.dma_semaphore, #tpu.memory_space<semaphore_mem>>
      %dma_start3A = arith.constant 0 : i32
      %dma_start3A_12 = tpu.memref_slice %arg6[%add3A_11, %dma_start3A] : memref<20480x128xf32, #tpu.memory_space<hbm>> -> memref<640x128xf32, #tpu.memory_space<hbm>>
      %dma_start3A_13 = arith.constant 0 : i32
      %dma_start3A_14 = tpu.memref_slice %arg10[%mul3A_2, %dma_start3A_13] : memref<10240x128xf32, #tpu.memory_space<vmem_shared>> -> memref<640x128xf32, #tpu.memory_space<vmem_shared>>
      tpu.enqueue_dma source(%dma_start3A_14 : memref<640x128xf32, #tpu.memory_space<vmem_shared>>) target(%dma_start3A_12 : memref<640x128xf32, #tpu.memory_space<hbm>>) target_semaphore(%run_scoped3A : memref<!tpu.dma_semaphore, #tpu.memory_space<semaphore_mem>>)
      %dma_wait3A = arith.constant 0 : i32
      %dma_wait3A_15 = tpu.memref_slice %arg6[%add3A_11, %dma_wait3A] : memref<20480x128xf32, #tpu.memory_space<hbm>> -> memref<640x128xf32, #tpu.memory_space<hbm>>
      %dma_wait3A_16 = arith.constant 0 : i32
      %dma_wait3A_17 = tpu.memref_slice %arg10[%mul3A_2, %dma_wait3A_16] : memref<10240x128xf32, #tpu.memory_space<vmem_shared>> -> memref<640x128xf32, #tpu.memory_space<vmem_shared>>
      tpu.wait_dma2 semaphore(%run_scoped3A : memref<!tpu.dma_semaphore, #tpu.memory_space<semaphore_mem>>) src(%dma_wait3A_17 : memref<640x128xf32, #tpu.memory_space<vmem_shared>>) dst(%dma_wait3A_15 : memref<640x128xf32, #tpu.memory_space<hbm>>)
      tpu.yield
    }) : () -> ()
    return
  }
}

#map = affine_map<(d0, d1) -> (0, 0)>
#map1 = affine_map<(d0, d1) -> (0, 0, 0)>
module attributes {stable_mosaic.version = 14 : i64} {
  func.func @prop(%arg0: i32, %arg1: i32, %arg2: memref<10240x128xf32, #tpu.memory_space<hbm>>, %arg3: memref<32x82x128xi32, #tpu.memory_space<hbm>>, %arg4: memref<32x82x128xi32, #tpu.memory_space<hbm>>, %arg5: memref<10240x128xf32, #tpu.memory_space<hbm>>, %arg6: memref<20480x128xf32, #tpu.memory_space<hbm>>, %arg7: memref<82x128xi32, #tpu.memory_space<vmem>>, %arg8: memref<82x128xi32, #tpu.memory_space<vmem>>, %arg9: memref<128x128xf32, #tpu.memory_space<vmem>>, %arg10: memref<10240x128xf32, #tpu.memory_space<vmem_shared>>, %arg11: memref<!tpu.dma_semaphore, #tpu.memory_space<semaphore_mem>>) attributes {dimension_semantics = [#tpu.dimension_semantics<core_parallel>, #tpu.dimension_semantics<subcore_parallel>], iteration_bounds = array<i64: 2, 16>, scalar_prefetch = 0 : i64, scratch_operands = 5 : i64, tpu.core_type = #tpu.core_type<sc_vector_subcore>, window_params = [{transform_indices = #map}, {transform_indices = #map1}, {transform_indices = #map1}, {transform_indices = #map}, {transform_indices = #map}]} {
    %mul3A = arith.constant 16 : i32
    %mul3A_0 = arith.muli %arg0, %mul3A : i32
    %add3A = arith.addi %mul3A_0, %arg1 : i32
    %mul3A_1 = arith.constant 640 : i32
    %mul3A_2 = arith.muli %arg1, %mul3A_1 : i32
    "tpu.region"() ({
      %run_scoped3A = tpu.sem_alloc : memref<!tpu.dma_semaphore, #tpu.memory_space<semaphore_mem>>
      %dma_start3A = arith.constant 0 : i32
      %dma_start3A_12 = tpu.memref_slice %arg10[%mul3A_2, %dma_start3A] : memref<10240x128xf32, #tpu.memory_space<vmem_shared>> -> memref<640x128xf32, #tpu.memory_space<vmem_shared>>
      %dma_start3A_13 = arith.constant 0 : i32
      %dma_start3A_14 = tpu.memref_slice %arg5[%mul3A_2, %dma_start3A_13] : memref<10240x128xf32, #tpu.memory_space<hbm>> -> memref<640x128xf32, #tpu.memory_space<hbm>>
      tpu.enqueue_dma source(%dma_start3A_14 : memref<640x128xf32, #tpu.memory_space<hbm>>) target(%dma_start3A_12 : memref<640x128xf32, #tpu.memory_space<vmem_shared>>) target_semaphore(%run_scoped3A : memref<!tpu.dma_semaphore, #tpu.memory_space<semaphore_mem>>)
      %dma_wait3A = arith.constant 0 : i32
      %dma_wait3A_15 = tpu.memref_slice %arg10[%mul3A_2, %dma_wait3A] : memref<10240x128xf32, #tpu.memory_space<vmem_shared>> -> memref<640x128xf32, #tpu.memory_space<vmem_shared>>
      %dma_wait3A_16 = arith.constant 0 : i32
      %dma_wait3A_17 = tpu.memref_slice %arg5[%mul3A_2, %dma_wait3A_16] : memref<10240x128xf32, #tpu.memory_space<hbm>> -> memref<640x128xf32, #tpu.memory_space<hbm>>
      tpu.wait_dma2 semaphore(%run_scoped3A : memref<!tpu.dma_semaphore, #tpu.memory_space<semaphore_mem>>) src(%dma_wait3A_17 : memref<640x128xf32, #tpu.memory_space<hbm>>) dst(%dma_wait3A_15 : memref<640x128xf32, #tpu.memory_space<vmem_shared>>)
      tpu.yield
    }) : () -> ()
    "tpu.region"() ({
      %run_scoped3A = tpu.sem_alloc : memref<!tpu.dma_semaphore, #tpu.memory_space<semaphore_mem>>
      %dma_start3A = arith.constant 0 : i32
      %dma_start3A_12 = arith.constant 0 : i32
      %dma_start3A_13 = tpu.memref_slice %arg3[%add3A, %dma_start3A, %dma_start3A_12] : memref<32x82x128xi32, #tpu.memory_space<hbm>> -> memref<1x82x128xi32, #tpu.memory_space<hbm>>
      %dma_start3A_14 = tpu.memref_squeeze %dma_start3A_13 : memref<1x82x128xi32, #tpu.memory_space<hbm>> -> memref<82x128xi32, #tpu.memory_space<hbm>>
      %dma_start3A_15 = arith.constant 0 : i32
      %dma_start3A_16 = arith.constant 0 : i32
      %dma_start3A_17 = tpu.memref_slice %arg3[%add3A, %dma_start3A_15, %dma_start3A_16] : memref<32x82x128xi32, #tpu.memory_space<hbm>> -> memref<1x82x128xi32, #tpu.memory_space<hbm>>
      %dma_start3A_18 = tpu.memref_squeeze %dma_start3A_17 : memref<1x82x128xi32, #tpu.memory_space<hbm>> -> memref<82x128xi32, #tpu.memory_space<hbm>>
      tpu.enqueue_dma source(%dma_start3A_18 : memref<82x128xi32, #tpu.memory_space<hbm>>) target(%arg7 : memref<82x128xi32, #tpu.memory_space<vmem>>) target_semaphore(%run_scoped3A : memref<!tpu.dma_semaphore, #tpu.memory_space<semaphore_mem>>)
      %dma_wait3A = arith.constant 0 : i32
      %dma_wait3A_19 = arith.constant 0 : i32
      %dma_wait3A_20 = tpu.memref_slice %arg3[%add3A, %dma_wait3A, %dma_wait3A_19] : memref<32x82x128xi32, #tpu.memory_space<hbm>> -> memref<1x82x128xi32, #tpu.memory_space<hbm>>
      %dma_wait3A_21 = tpu.memref_squeeze %dma_wait3A_20 : memref<1x82x128xi32, #tpu.memory_space<hbm>> -> memref<82x128xi32, #tpu.memory_space<hbm>>
      %dma_wait3A_22 = arith.constant 0 : i32
      %dma_wait3A_23 = arith.constant 0 : i32
      %dma_wait3A_24 = tpu.memref_slice %arg3[%add3A, %dma_wait3A_22, %dma_wait3A_23] : memref<32x82x128xi32, #tpu.memory_space<hbm>> -> memref<1x82x128xi32, #tpu.memory_space<hbm>>
      %dma_wait3A_25 = tpu.memref_squeeze %dma_wait3A_24 : memref<1x82x128xi32, #tpu.memory_space<hbm>> -> memref<82x128xi32, #tpu.memory_space<hbm>>
      tpu.wait_dma2 semaphore(%run_scoped3A : memref<!tpu.dma_semaphore, #tpu.memory_space<semaphore_mem>>) src(%dma_wait3A_25 : memref<82x128xi32, #tpu.memory_space<hbm>>) dst(%arg7 : memref<82x128xi32, #tpu.memory_space<vmem>>)
      tpu.yield
    }) : () -> ()
    "tpu.region"() ({
      %run_scoped3A = tpu.sem_alloc : memref<!tpu.dma_semaphore, #tpu.memory_space<semaphore_mem>>
      %dma_start3A = arith.constant 0 : i32
      %dma_start3A_12 = arith.constant 0 : i32
      %dma_start3A_13 = tpu.memref_slice %arg4[%add3A, %dma_start3A, %dma_start3A_12] : memref<32x82x128xi32, #tpu.memory_space<hbm>> -> memref<1x82x128xi32, #tpu.memory_space<hbm>>
      %dma_start3A_14 = tpu.memref_squeeze %dma_start3A_13 : memref<1x82x128xi32, #tpu.memory_space<hbm>> -> memref<82x128xi32, #tpu.memory_space<hbm>>
      %dma_start3A_15 = arith.constant 0 : i32
      %dma_start3A_16 = arith.constant 0 : i32
      %dma_start3A_17 = tpu.memref_slice %arg4[%add3A, %dma_start3A_15, %dma_start3A_16] : memref<32x82x128xi32, #tpu.memory_space<hbm>> -> memref<1x82x128xi32, #tpu.memory_space<hbm>>
      %dma_start3A_18 = tpu.memref_squeeze %dma_start3A_17 : memref<1x82x128xi32, #tpu.memory_space<hbm>> -> memref<82x128xi32, #tpu.memory_space<hbm>>
      tpu.enqueue_dma source(%dma_start3A_18 : memref<82x128xi32, #tpu.memory_space<hbm>>) target(%arg8 : memref<82x128xi32, #tpu.memory_space<vmem>>) target_semaphore(%run_scoped3A : memref<!tpu.dma_semaphore, #tpu.memory_space<semaphore_mem>>)
      %dma_wait3A = arith.constant 0 : i32
      %dma_wait3A_19 = arith.constant 0 : i32
      %dma_wait3A_20 = tpu.memref_slice %arg4[%add3A, %dma_wait3A, %dma_wait3A_19] : memref<32x82x128xi32, #tpu.memory_space<hbm>> -> memref<1x82x128xi32, #tpu.memory_space<hbm>>
      %dma_wait3A_21 = tpu.memref_squeeze %dma_wait3A_20 : memref<1x82x128xi32, #tpu.memory_space<hbm>> -> memref<82x128xi32, #tpu.memory_space<hbm>>
      %dma_wait3A_22 = arith.constant 0 : i32
      %dma_wait3A_23 = arith.constant 0 : i32
      %dma_wait3A_24 = tpu.memref_slice %arg4[%add3A, %dma_wait3A_22, %dma_wait3A_23] : memref<32x82x128xi32, #tpu.memory_space<hbm>> -> memref<1x82x128xi32, #tpu.memory_space<hbm>>
      %dma_wait3A_25 = tpu.memref_squeeze %dma_wait3A_24 : memref<1x82x128xi32, #tpu.memory_space<hbm>> -> memref<82x128xi32, #tpu.memory_space<hbm>>
      tpu.wait_dma2 semaphore(%run_scoped3A : memref<!tpu.dma_semaphore, #tpu.memory_space<semaphore_mem>>) src(%dma_wait3A_25 : memref<82x128xi32, #tpu.memory_space<hbm>>) dst(%arg8 : memref<82x128xi32, #tpu.memory_space<vmem>>)
      tpu.yield
    }) : () -> ()
    %barrier3A = arith.constant 0 : index
    tpu.barrier barrier_id(%barrier3A)
    %scan3A = arith.constant 0 : i32
    %scan3A_3 = arith.constant 0 : i32
    %scan3A_4 = arith.constant 82 : i32
    %scan3A_5 = arith.addi %scan3A_3, %scan3A_4 : i32
    %scan3A_6 = arith.constant 1 : i32
    scf.for %scan3A_12 = %scan3A_3 to %scan3A_5 step %scan3A_6  : i32 {
      %dma_start3A = arith.constant 0 : i32
      %dma_start3A_13 = tpu.memref_slice %arg7[%scan3A_12, %dma_start3A] : memref<82x128xi32, #tpu.memory_space<vmem>> -> memref<1x128xi32, #tpu.memory_space<vmem>>
      %dma_start3A_14 = tpu.memref_squeeze %dma_start3A_13 : memref<1x128xi32, #tpu.memory_space<vmem>> -> memref<128xi32, #tpu.memory_space<vmem>>
      %dma_start3A_15 = arith.constant 0 : i32
      %dma_start3A_16 = arith.constant 0 : i32
      %dma_start3A_17 = tpu.memref_slice %arg2[%dma_start3A_15, %dma_start3A_16] : memref<10240x128xf32, #tpu.memory_space<hbm>> -> memref<10240x128xf32, #tpu.memory_space<hbm>>
      tpu.enqueue_indirect_dma source(%dma_start3A_17 : memref<10240x128xf32, #tpu.memory_space<hbm>>) target(%arg9 : memref<128x128xf32, #tpu.memory_space<vmem>>) offsets(%dma_start3A_14 : memref<128xi32, #tpu.memory_space<vmem>>) semaphore(%arg11 : memref<!tpu.dma_semaphore, #tpu.memory_space<semaphore_mem>>)
      %dma_wait3A = arith.constant 0 : i32
      %dma_wait3A_18 = tpu.memref_slice %arg7[%scan3A_12, %dma_wait3A] : memref<82x128xi32, #tpu.memory_space<vmem>> -> memref<1x128xi32, #tpu.memory_space<vmem>>
      %dma_wait3A_19 = tpu.memref_squeeze %dma_wait3A_18 : memref<1x128xi32, #tpu.memory_space<vmem>> -> memref<128xi32, #tpu.memory_space<vmem>>
      %dma_wait3A_20 = arith.constant 0 : i32
      %dma_wait3A_21 = arith.constant 0 : i32
      %dma_wait3A_22 = tpu.memref_slice %arg2[%dma_wait3A_20, %dma_wait3A_21] : memref<10240x128xf32, #tpu.memory_space<hbm>> -> memref<10240x128xf32, #tpu.memory_space<hbm>>
      tpu.wait_indirect_dma semaphore(%arg11 : memref<!tpu.dma_semaphore, #tpu.memory_space<semaphore_mem>>) src(%dma_wait3A_22 : memref<10240x128xf32, #tpu.memory_space<hbm>>) dst(%arg9 : memref<128x128xf32, #tpu.memory_space<vmem>>)
      "tpu.region"() ({
        %run_scoped3A = tpu.sem_alloc : memref<!tpu.dma_semaphore, #tpu.memory_space<semaphore_mem>>
        %dma_start3A_23 = arith.constant 0 : i32
        %dma_start3A_24 = tpu.memref_slice %arg8[%scan3A_12, %dma_start3A_23] : memref<82x128xi32, #tpu.memory_space<vmem>> -> memref<1x128xi32, #tpu.memory_space<vmem>>
        %dma_start3A_25 = tpu.memref_squeeze %dma_start3A_24 : memref<1x128xi32, #tpu.memory_space<vmem>> -> memref<128xi32, #tpu.memory_space<vmem>>
        %dma_start3A_26 = arith.constant 0 : i32
        %dma_start3A_27 = arith.constant 0 : i32
        %dma_start3A_28 = tpu.memref_slice %arg10[%dma_start3A_26, %dma_start3A_27] : memref<10240x128xf32, #tpu.memory_space<vmem_shared>> -> memref<10240x128xf32, #tpu.memory_space<vmem_shared>>
        tpu.enqueue_indirect_dma source(%arg9 : memref<128x128xf32, #tpu.memory_space<vmem>>) target(%dma_start3A_28 : memref<10240x128xf32, #tpu.memory_space<vmem_shared>>) offsets(%dma_start3A_25 : memref<128xi32, #tpu.memory_space<vmem>>) semaphore(%run_scoped3A : memref<!tpu.dma_semaphore, #tpu.memory_space<semaphore_mem>>) {add = true}
        %dma_wait3A_29 = arith.constant 0 : i32
        %dma_wait3A_30 = tpu.memref_slice %arg8[%scan3A_12, %dma_wait3A_29] : memref<82x128xi32, #tpu.memory_space<vmem>> -> memref<1x128xi32, #tpu.memory_space<vmem>>
        %dma_wait3A_31 = tpu.memref_squeeze %dma_wait3A_30 : memref<1x128xi32, #tpu.memory_space<vmem>> -> memref<128xi32, #tpu.memory_space<vmem>>
        %dma_wait3A_32 = arith.constant 0 : i32
        %dma_wait3A_33 = arith.constant 0 : i32
        %dma_wait3A_34 = tpu.memref_slice %arg10[%dma_wait3A_32, %dma_wait3A_33] : memref<10240x128xf32, #tpu.memory_space<vmem_shared>> -> memref<10240x128xf32, #tpu.memory_space<vmem_shared>>
        tpu.wait_indirect_dma semaphore(%run_scoped3A : memref<!tpu.dma_semaphore, #tpu.memory_space<semaphore_mem>>) src(%arg9 : memref<128x128xf32, #tpu.memory_space<vmem>>) dst(%dma_wait3A_34 : memref<10240x128xf32, #tpu.memory_space<vmem_shared>>)
        tpu.yield
      }) : () -> ()
    }
    %scan3A_7 = arith.constant 82 : i32
    %barrier3A_8 = arith.constant 0 : index
    tpu.barrier barrier_id(%barrier3A_8)
    %mul3A_9 = arith.constant 10240 : i32
    %mul3A_10 = arith.muli %arg0, %mul3A_9 : i32
    %add3A_11 = arith.addi %mul3A_10, %mul3A_2 : i32
    "tpu.region"() ({
      %run_scoped3A = tpu.sem_alloc : memref<!tpu.dma_semaphore, #tpu.memory_space<semaphore_mem>>
      %dma_start3A = arith.constant 0 : i32
      %dma_start3A_12 = tpu.memref_slice %arg6[%add3A_11, %dma_start3A] : memref<20480x128xf32, #tpu.memory_space<hbm>> -> memref<640x128xf32, #tpu.memory_space<hbm>>
      %dma_start3A_13 = arith.constant 0 : i32
      %dma_start3A_14 = tpu.memref_slice %arg10[%mul3A_2, %dma_start3A_13] : memref<10240x128xf32, #tpu.memory_space<vmem_shared>> -> memref<640x128xf32, #tpu.memory_space<vmem_shared>>
      tpu.enqueue_dma source(%dma_start3A_14 : memref<640x128xf32, #tpu.memory_space<vmem_shared>>) target(%dma_start3A_12 : memref<640x128xf32, #tpu.memory_space<hbm>>) target_semaphore(%run_scoped3A : memref<!tpu.dma_semaphore, #tpu.memory_space<semaphore_mem>>)
      %dma_wait3A = arith.constant 0 : i32
      %dma_wait3A_15 = tpu.memref_slice %arg6[%add3A_11, %dma_wait3A] : memref<20480x128xf32, #tpu.memory_space<hbm>> -> memref<640x128xf32, #tpu.memory_space<hbm>>
      %dma_wait3A_16 = arith.constant 0 : i32
      %dma_wait3A_17 = tpu.memref_slice %arg10[%mul3A_2, %dma_wait3A_16] : memref<10240x128xf32, #tpu.memory_space<vmem_shared>> -> memref<640x128xf32, #tpu.memory_space<vmem_shared>>
      tpu.wait_dma2 semaphore(%run_scoped3A : memref<!tpu.dma_semaphore, #tpu.memory_space<semaphore_mem>>) src(%dma_wait3A_17 : memref<640x128xf32, #tpu.memory_space<vmem_shared>>) dst(%dma_wait3A_15 : memref<640x128xf32, #tpu.memory_space<hbm>>)
      tpu.yield
    }) : () -> ()
    return
  }
}

#map = affine_map<(d0, d1) -> (0, 0)>
#map1 = affine_map<(d0, d1) -> (0, 0, 0)>
module attributes {stable_mosaic.version = 14 : i64} {
  func.func @prop(%arg0: i32, %arg1: i32, %arg2: memref<10240x128xf32, #tpu.memory_space<hbm>>, %arg3: memref<32x82x128xi32, #tpu.memory_space<hbm>>, %arg4: memref<32x82x128xi32, #tpu.memory_space<hbm>>, %arg5: memref<10240x128xf32, #tpu.memory_space<hbm>>, %arg6: memref<20480x128xf32, #tpu.memory_space<hbm>>, %arg7: memref<82x128xi32, #tpu.memory_space<vmem>>, %arg8: memref<82x128xi32, #tpu.memory_space<vmem>>, %arg9: memref<128x128xf32, #tpu.memory_space<vmem>>, %arg10: memref<10240x128xf32, #tpu.memory_space<vmem_shared>>, %arg11: memref<!tpu.dma_semaphore, #tpu.memory_space<semaphore_mem>>) attributes {dimension_semantics = [#tpu.dimension_semantics<core_parallel>, #tpu.dimension_semantics<subcore_parallel>], iteration_bounds = array<i64: 2, 16>, scalar_prefetch = 0 : i64, scratch_operands = 5 : i64, tpu.core_type = #tpu.core_type<sc_vector_subcore>, window_params = [{transform_indices = #map}, {transform_indices = #map1}, {transform_indices = #map1}, {transform_indices = #map}, {transform_indices = #map}]} {
    %mul3A = arith.constant 16 : i32
    %mul3A_0 = arith.muli %arg0, %mul3A : i32
    %add3A = arith.addi %mul3A_0, %arg1 : i32
    %mul3A_1 = arith.constant 640 : i32
    %mul3A_2 = arith.muli %arg1, %mul3A_1 : i32
    "tpu.region"() ({
      %run_scoped3A = tpu.sem_alloc : memref<!tpu.dma_semaphore, #tpu.memory_space<semaphore_mem>>
      %dma_start3A = arith.constant 0 : i32
      %dma_start3A_12 = tpu.memref_slice %arg10[%mul3A_2, %dma_start3A] : memref<10240x128xf32, #tpu.memory_space<vmem_shared>> -> memref<640x128xf32, #tpu.memory_space<vmem_shared>>
      %dma_start3A_13 = arith.constant 0 : i32
      %dma_start3A_14 = tpu.memref_slice %arg5[%mul3A_2, %dma_start3A_13] : memref<10240x128xf32, #tpu.memory_space<hbm>> -> memref<640x128xf32, #tpu.memory_space<hbm>>
      tpu.enqueue_dma source(%dma_start3A_14 : memref<640x128xf32, #tpu.memory_space<hbm>>) target(%dma_start3A_12 : memref<640x128xf32, #tpu.memory_space<vmem_shared>>) target_semaphore(%run_scoped3A : memref<!tpu.dma_semaphore, #tpu.memory_space<semaphore_mem>>)
      %dma_wait3A = arith.constant 0 : i32
      %dma_wait3A_15 = tpu.memref_slice %arg10[%mul3A_2, %dma_wait3A] : memref<10240x128xf32, #tpu.memory_space<vmem_shared>> -> memref<640x128xf32, #tpu.memory_space<vmem_shared>>
      %dma_wait3A_16 = arith.constant 0 : i32
      %dma_wait3A_17 = tpu.memref_slice %arg5[%mul3A_2, %dma_wait3A_16] : memref<10240x128xf32, #tpu.memory_space<hbm>> -> memref<640x128xf32, #tpu.memory_space<hbm>>
      tpu.wait_dma2 semaphore(%run_scoped3A : memref<!tpu.dma_semaphore, #tpu.memory_space<semaphore_mem>>) src(%dma_wait3A_17 : memref<640x128xf32, #tpu.memory_space<hbm>>) dst(%dma_wait3A_15 : memref<640x128xf32, #tpu.memory_space<vmem_shared>>)
      tpu.yield
    }) : () -> ()
    "tpu.region"() ({
      %run_scoped3A = tpu.sem_alloc : memref<!tpu.dma_semaphore, #tpu.memory_space<semaphore_mem>>
      %dma_start3A = arith.constant 0 : i32
      %dma_start3A_12 = arith.constant 0 : i32
      %dma_start3A_13 = tpu.memref_slice %arg3[%add3A, %dma_start3A, %dma_start3A_12] : memref<32x82x128xi32, #tpu.memory_space<hbm>> -> memref<1x82x128xi32, #tpu.memory_space<hbm>>
      %dma_start3A_14 = tpu.memref_squeeze %dma_start3A_13 : memref<1x82x128xi32, #tpu.memory_space<hbm>> -> memref<82x128xi32, #tpu.memory_space<hbm>>
      %dma_start3A_15 = arith.constant 0 : i32
      %dma_start3A_16 = arith.constant 0 : i32
      %dma_start3A_17 = tpu.memref_slice %arg3[%add3A, %dma_start3A_15, %dma_start3A_16] : memref<32x82x128xi32, #tpu.memory_space<hbm>> -> memref<1x82x128xi32, #tpu.memory_space<hbm>>
      %dma_start3A_18 = tpu.memref_squeeze %dma_start3A_17 : memref<1x82x128xi32, #tpu.memory_space<hbm>> -> memref<82x128xi32, #tpu.memory_space<hbm>>
      tpu.enqueue_dma source(%dma_start3A_18 : memref<82x128xi32, #tpu.memory_space<hbm>>) target(%arg7 : memref<82x128xi32, #tpu.memory_space<vmem>>) target_semaphore(%run_scoped3A : memref<!tpu.dma_semaphore, #tpu.memory_space<semaphore_mem>>)
      %dma_wait3A = arith.constant 0 : i32
      %dma_wait3A_19 = arith.constant 0 : i32
      %dma_wait3A_20 = tpu.memref_slice %arg3[%add3A, %dma_wait3A, %dma_wait3A_19] : memref<32x82x128xi32, #tpu.memory_space<hbm>> -> memref<1x82x128xi32, #tpu.memory_space<hbm>>
      %dma_wait3A_21 = tpu.memref_squeeze %dma_wait3A_20 : memref<1x82x128xi32, #tpu.memory_space<hbm>> -> memref<82x128xi32, #tpu.memory_space<hbm>>
      %dma_wait3A_22 = arith.constant 0 : i32
      %dma_wait3A_23 = arith.constant 0 : i32
      %dma_wait3A_24 = tpu.memref_slice %arg3[%add3A, %dma_wait3A_22, %dma_wait3A_23] : memref<32x82x128xi32, #tpu.memory_space<hbm>> -> memref<1x82x128xi32, #tpu.memory_space<hbm>>
      %dma_wait3A_25 = tpu.memref_squeeze %dma_wait3A_24 : memref<1x82x128xi32, #tpu.memory_space<hbm>> -> memref<82x128xi32, #tpu.memory_space<hbm>>
      tpu.wait_dma2 semaphore(%run_scoped3A : memref<!tpu.dma_semaphore, #tpu.memory_space<semaphore_mem>>) src(%dma_wait3A_25 : memref<82x128xi32, #tpu.memory_space<hbm>>) dst(%arg7 : memref<82x128xi32, #tpu.memory_space<vmem>>)
      tpu.yield
    }) : () -> ()
    "tpu.region"() ({
      %run_scoped3A = tpu.sem_alloc : memref<!tpu.dma_semaphore, #tpu.memory_space<semaphore_mem>>
      %dma_start3A = arith.constant 0 : i32
      %dma_start3A_12 = arith.constant 0 : i32
      %dma_start3A_13 = tpu.memref_slice %arg4[%add3A, %dma_start3A, %dma_start3A_12] : memref<32x82x128xi32, #tpu.memory_space<hbm>> -> memref<1x82x128xi32, #tpu.memory_space<hbm>>
      %dma_start3A_14 = tpu.memref_squeeze %dma_start3A_13 : memref<1x82x128xi32, #tpu.memory_space<hbm>> -> memref<82x128xi32, #tpu.memory_space<hbm>>
      %dma_start3A_15 = arith.constant 0 : i32
      %dma_start3A_16 = arith.constant 0 : i32
      %dma_start3A_17 = tpu.memref_slice %arg4[%add3A, %dma_start3A_15, %dma_start3A_16] : memref<32x82x128xi32, #tpu.memory_space<hbm>> -> memref<1x82x128xi32, #tpu.memory_space<hbm>>
      %dma_start3A_18 = tpu.memref_squeeze %dma_start3A_17 : memref<1x82x128xi32, #tpu.memory_space<hbm>> -> memref<82x128xi32, #tpu.memory_space<hbm>>
      tpu.enqueue_dma source(%dma_start3A_18 : memref<82x128xi32, #tpu.memory_space<hbm>>) target(%arg8 : memref<82x128xi32, #tpu.memory_space<vmem>>) target_semaphore(%run_scoped3A : memref<!tpu.dma_semaphore, #tpu.memory_space<semaphore_mem>>)
      %dma_wait3A = arith.constant 0 : i32
      %dma_wait3A_19 = arith.constant 0 : i32
      %dma_wait3A_20 = tpu.memref_slice %arg4[%add3A, %dma_wait3A, %dma_wait3A_19] : memref<32x82x128xi32, #tpu.memory_space<hbm>> -> memref<1x82x128xi32, #tpu.memory_space<hbm>>
      %dma_wait3A_21 = tpu.memref_squeeze %dma_wait3A_20 : memref<1x82x128xi32, #tpu.memory_space<hbm>> -> memref<82x128xi32, #tpu.memory_space<hbm>>
      %dma_wait3A_22 = arith.constant 0 : i32
      %dma_wait3A_23 = arith.constant 0 : i32
      %dma_wait3A_24 = tpu.memref_slice %arg4[%add3A, %dma_wait3A_22, %dma_wait3A_23] : memref<32x82x128xi32, #tpu.memory_space<hbm>> -> memref<1x82x128xi32, #tpu.memory_space<hbm>>
      %dma_wait3A_25 = tpu.memref_squeeze %dma_wait3A_24 : memref<1x82x128xi32, #tpu.memory_space<hbm>> -> memref<82x128xi32, #tpu.memory_space<hbm>>
      tpu.wait_dma2 semaphore(%run_scoped3A : memref<!tpu.dma_semaphore, #tpu.memory_space<semaphore_mem>>) src(%dma_wait3A_25 : memref<82x128xi32, #tpu.memory_space<hbm>>) dst(%arg8 : memref<82x128xi32, #tpu.memory_space<vmem>>)
      tpu.yield
    }) : () -> ()
    %barrier3A = arith.constant 0 : index
    tpu.barrier barrier_id(%barrier3A)
    %scan3A = arith.constant 0 : i32
    %scan3A_3 = arith.constant 0 : i32
    %scan3A_4 = arith.constant 82 : i32
    %scan3A_5 = arith.addi %scan3A_3, %scan3A_4 : i32
    %scan3A_6 = arith.constant 1 : i32
    scf.for %scan3A_12 = %scan3A_3 to %scan3A_5 step %scan3A_6  : i32 {
      %dma_start3A = arith.constant 0 : i32
      %dma_start3A_13 = tpu.memref_slice %arg7[%scan3A_12, %dma_start3A] : memref<82x128xi32, #tpu.memory_space<vmem>> -> memref<1x128xi32, #tpu.memory_space<vmem>>
      %dma_start3A_14 = tpu.memref_squeeze %dma_start3A_13 : memref<1x128xi32, #tpu.memory_space<vmem>> -> memref<128xi32, #tpu.memory_space<vmem>>
      %dma_start3A_15 = arith.constant 0 : i32
      %dma_start3A_16 = arith.constant 0 : i32
      %dma_start3A_17 = tpu.memref_slice %arg2[%dma_start3A_15, %dma_start3A_16] : memref<10240x128xf32, #tpu.memory_space<hbm>> -> memref<10240x128xf32, #tpu.memory_space<hbm>>
      tpu.enqueue_indirect_dma source(%dma_start3A_17 : memref<10240x128xf32, #tpu.memory_space<hbm>>) target(%arg9 : memref<128x128xf32, #tpu.memory_space<vmem>>) offsets(%dma_start3A_14 : memref<128xi32, #tpu.memory_space<vmem>>) semaphore(%arg11 : memref<!tpu.dma_semaphore, #tpu.memory_space<semaphore_mem>>)
      %dma_wait3A = arith.constant 0 : i32
      %dma_wait3A_18 = tpu.memref_slice %arg7[%scan3A_12, %dma_wait3A] : memref<82x128xi32, #tpu.memory_space<vmem>> -> memref<1x128xi32, #tpu.memory_space<vmem>>
      %dma_wait3A_19 = tpu.memref_squeeze %dma_wait3A_18 : memref<1x128xi32, #tpu.memory_space<vmem>> -> memref<128xi32, #tpu.memory_space<vmem>>
      %dma_wait3A_20 = arith.constant 0 : i32
      %dma_wait3A_21 = arith.constant 0 : i32
      %dma_wait3A_22 = tpu.memref_slice %arg2[%dma_wait3A_20, %dma_wait3A_21] : memref<10240x128xf32, #tpu.memory_space<hbm>> -> memref<10240x128xf32, #tpu.memory_space<hbm>>
      tpu.wait_indirect_dma semaphore(%arg11 : memref<!tpu.dma_semaphore, #tpu.memory_space<semaphore_mem>>) src(%dma_wait3A_22 : memref<10240x128xf32, #tpu.memory_space<hbm>>) dst(%arg9 : memref<128x128xf32, #tpu.memory_space<vmem>>)
      "tpu.region"() ({
        %run_scoped3A = tpu.sem_alloc : memref<!tpu.dma_semaphore, #tpu.memory_space<semaphore_mem>>
        %dma_start3A_23 = arith.constant 0 : i32
        %dma_start3A_24 = tpu.memref_slice %arg8[%scan3A_12, %dma_start3A_23] : memref<82x128xi32, #tpu.memory_space<vmem>> -> memref<1x128xi32, #tpu.memory_space<vmem>>
        %dma_start3A_25 = tpu.memref_squeeze %dma_start3A_24 : memref<1x128xi32, #tpu.memory_space<vmem>> -> memref<128xi32, #tpu.memory_space<vmem>>
        %dma_start3A_26 = arith.constant 0 : i32
        %dma_start3A_27 = arith.constant 0 : i32
        %dma_start3A_28 = tpu.memref_slice %arg10[%dma_start3A_26, %dma_start3A_27] : memref<10240x128xf32, #tpu.memory_space<vmem_shared>> -> memref<10240x128xf32, #tpu.memory_space<vmem_shared>>
        tpu.enqueue_indirect_dma source(%arg9 : memref<128x128xf32, #tpu.memory_space<vmem>>) target(%dma_start3A_28 : memref<10240x128xf32, #tpu.memory_space<vmem_shared>>) offsets(%dma_start3A_25 : memref<128xi32, #tpu.memory_space<vmem>>) semaphore(%run_scoped3A : memref<!tpu.dma_semaphore, #tpu.memory_space<semaphore_mem>>) {add = true}
        %dma_wait3A_29 = arith.constant 0 : i32
        %dma_wait3A_30 = tpu.memref_slice %arg8[%scan3A_12, %dma_wait3A_29] : memref<82x128xi32, #tpu.memory_space<vmem>> -> memref<1x128xi32, #tpu.memory_space<vmem>>
        %dma_wait3A_31 = tpu.memref_squeeze %dma_wait3A_30 : memref<1x128xi32, #tpu.memory_space<vmem>> -> memref<128xi32, #tpu.memory_space<vmem>>
        %dma_wait3A_32 = arith.constant 0 : i32
        %dma_wait3A_33 = arith.constant 0 : i32
        %dma_wait3A_34 = tpu.memref_slice %arg10[%dma_wait3A_32, %dma_wait3A_33] : memref<10240x128xf32, #tpu.memory_space<vmem_shared>> -> memref<10240x128xf32, #tpu.memory_space<vmem_shared>>
        tpu.wait_indirect_dma semaphore(%run_scoped3A : memref<!tpu.dma_semaphore, #tpu.memory_space<semaphore_mem>>) src(%arg9 : memref<128x128xf32, #tpu.memory_space<vmem>>) dst(%dma_wait3A_34 : memref<10240x128xf32, #tpu.memory_space<vmem_shared>>)
        tpu.yield
      }) : () -> ()
    }
    %scan3A_7 = arith.constant 82 : i32
    %barrier3A_8 = arith.constant 0 : index
    tpu.barrier barrier_id(%barrier3A_8)
    %mul3A_9 = arith.constant 10240 : i32
    %mul3A_10 = arith.muli %arg0, %mul3A_9 : i32
    %add3A_11 = arith.addi %mul3A_10, %mul3A_2 : i32
    "tpu.region"() ({
      %run_scoped3A = tpu.sem_alloc : memref<!tpu.dma_semaphore, #tpu.memory_space<semaphore_mem>>
      %dma_start3A = arith.constant 0 : i32
      %dma_start3A_12 = tpu.memref_slice %arg6[%add3A_11, %dma_start3A] : memref<20480x128xf32, #tpu.memory_space<hbm>> -> memref<640x128xf32, #tpu.memory_space<hbm>>
      %dma_start3A_13 = arith.constant 0 : i32
      %dma_start3A_14 = tpu.memref_slice %arg10[%mul3A_2, %dma_start3A_13] : memref<10240x128xf32, #tpu.memory_space<vmem_shared>> -> memref<640x128xf32, #tpu.memory_space<vmem_shared>>
      tpu.enqueue_dma source(%dma_start3A_14 : memref<640x128xf32, #tpu.memory_space<vmem_shared>>) target(%dma_start3A_12 : memref<640x128xf32, #tpu.memory_space<hbm>>) target_semaphore(%run_scoped3A : memref<!tpu.dma_semaphore, #tpu.memory_space<semaphore_mem>>)
      %dma_wait3A = arith.constant 0 : i32
      %dma_wait3A_15 = tpu.memref_slice %arg6[%add3A_11, %dma_wait3A] : memref<20480x128xf32, #tpu.memory_space<hbm>> -> memref<640x128xf32, #tpu.memory_space<hbm>>
      %dma_wait3A_16 = arith.constant 0 : i32
      %dma_wait3A_17 = tpu.memref_slice %arg10[%mul3A_2, %dma_wait3A_16] : memref<10240x128xf32, #tpu.memory_space<vmem_shared>> -> memref<640x128xf32, #tpu.memory_space<vmem_shared>>
      tpu.wait_dma2 semaphore(%run_scoped3A : memref<!tpu.dma_semaphore, #tpu.memory_space<semaphore_mem>>) src(%dma_wait3A_17 : memref<640x128xf32, #tpu.memory_space<vmem_shared>>) dst(%dma_wait3A_15 : memref<640x128xf32, #tpu.memory_space<hbm>>)
      tpu.yield
    }) : () -> ()
    return
  }
}

#map = affine_map<(d0, d1) -> (0, 0)>
#map1 = affine_map<(d0, d1) -> (0, 0, 0)>
module attributes {stable_mosaic.version = 14 : i64} {
  func.func @prop(%arg0: i32, %arg1: i32, %arg2: memref<10240x128xf32, #tpu.memory_space<hbm>>, %arg3: memref<32x82x128xi32, #tpu.memory_space<hbm>>, %arg4: memref<32x82x128xi32, #tpu.memory_space<hbm>>, %arg5: memref<10240x128xf32, #tpu.memory_space<hbm>>, %arg6: memref<20480x128xf32, #tpu.memory_space<hbm>>, %arg7: memref<82x128xi32, #tpu.memory_space<vmem>>, %arg8: memref<82x128xi32, #tpu.memory_space<vmem>>, %arg9: memref<128x128xf32, #tpu.memory_space<vmem>>, %arg10: memref<10240x128xf32, #tpu.memory_space<vmem_shared>>, %arg11: memref<!tpu.dma_semaphore, #tpu.memory_space<semaphore_mem>>) attributes {dimension_semantics = [#tpu.dimension_semantics<core_parallel>, #tpu.dimension_semantics<subcore_parallel>], iteration_bounds = array<i64: 2, 16>, scalar_prefetch = 0 : i64, scratch_operands = 5 : i64, tpu.core_type = #tpu.core_type<sc_vector_subcore>, window_params = [{transform_indices = #map}, {transform_indices = #map1}, {transform_indices = #map1}, {transform_indices = #map}, {transform_indices = #map}]} {
    %mul3A = arith.constant 16 : i32
    %mul3A_0 = arith.muli %arg0, %mul3A : i32
    %add3A = arith.addi %mul3A_0, %arg1 : i32
    %mul3A_1 = arith.constant 640 : i32
    %mul3A_2 = arith.muli %arg1, %mul3A_1 : i32
    "tpu.region"() ({
      %run_scoped3A = tpu.sem_alloc : memref<!tpu.dma_semaphore, #tpu.memory_space<semaphore_mem>>
      %dma_start3A = arith.constant 0 : i32
      %dma_start3A_12 = tpu.memref_slice %arg10[%mul3A_2, %dma_start3A] : memref<10240x128xf32, #tpu.memory_space<vmem_shared>> -> memref<640x128xf32, #tpu.memory_space<vmem_shared>>
      %dma_start3A_13 = arith.constant 0 : i32
      %dma_start3A_14 = tpu.memref_slice %arg5[%mul3A_2, %dma_start3A_13] : memref<10240x128xf32, #tpu.memory_space<hbm>> -> memref<640x128xf32, #tpu.memory_space<hbm>>
      tpu.enqueue_dma source(%dma_start3A_14 : memref<640x128xf32, #tpu.memory_space<hbm>>) target(%dma_start3A_12 : memref<640x128xf32, #tpu.memory_space<vmem_shared>>) target_semaphore(%run_scoped3A : memref<!tpu.dma_semaphore, #tpu.memory_space<semaphore_mem>>)
      %dma_wait3A = arith.constant 0 : i32
      %dma_wait3A_15 = tpu.memref_slice %arg10[%mul3A_2, %dma_wait3A] : memref<10240x128xf32, #tpu.memory_space<vmem_shared>> -> memref<640x128xf32, #tpu.memory_space<vmem_shared>>
      %dma_wait3A_16 = arith.constant 0 : i32
      %dma_wait3A_17 = tpu.memref_slice %arg5[%mul3A_2, %dma_wait3A_16] : memref<10240x128xf32, #tpu.memory_space<hbm>> -> memref<640x128xf32, #tpu.memory_space<hbm>>
      tpu.wait_dma2 semaphore(%run_scoped3A : memref<!tpu.dma_semaphore, #tpu.memory_space<semaphore_mem>>) src(%dma_wait3A_17 : memref<640x128xf32, #tpu.memory_space<hbm>>) dst(%dma_wait3A_15 : memref<640x128xf32, #tpu.memory_space<vmem_shared>>)
      tpu.yield
    }) : () -> ()
    "tpu.region"() ({
      %run_scoped3A = tpu.sem_alloc : memref<!tpu.dma_semaphore, #tpu.memory_space<semaphore_mem>>
      %dma_start3A = arith.constant 0 : i32
      %dma_start3A_12 = arith.constant 0 : i32
      %dma_start3A_13 = tpu.memref_slice %arg3[%add3A, %dma_start3A, %dma_start3A_12] : memref<32x82x128xi32, #tpu.memory_space<hbm>> -> memref<1x82x128xi32, #tpu.memory_space<hbm>>
      %dma_start3A_14 = tpu.memref_squeeze %dma_start3A_13 : memref<1x82x128xi32, #tpu.memory_space<hbm>> -> memref<82x128xi32, #tpu.memory_space<hbm>>
      %dma_start3A_15 = arith.constant 0 : i32
      %dma_start3A_16 = arith.constant 0 : i32
      %dma_start3A_17 = tpu.memref_slice %arg3[%add3A, %dma_start3A_15, %dma_start3A_16] : memref<32x82x128xi32, #tpu.memory_space<hbm>> -> memref<1x82x128xi32, #tpu.memory_space<hbm>>
      %dma_start3A_18 = tpu.memref_squeeze %dma_start3A_17 : memref<1x82x128xi32, #tpu.memory_space<hbm>> -> memref<82x128xi32, #tpu.memory_space<hbm>>
      tpu.enqueue_dma source(%dma_start3A_18 : memref<82x128xi32, #tpu.memory_space<hbm>>) target(%arg7 : memref<82x128xi32, #tpu.memory_space<vmem>>) target_semaphore(%run_scoped3A : memref<!tpu.dma_semaphore, #tpu.memory_space<semaphore_mem>>)
      %dma_wait3A = arith.constant 0 : i32
      %dma_wait3A_19 = arith.constant 0 : i32
      %dma_wait3A_20 = tpu.memref_slice %arg3[%add3A, %dma_wait3A, %dma_wait3A_19] : memref<32x82x128xi32, #tpu.memory_space<hbm>> -> memref<1x82x128xi32, #tpu.memory_space<hbm>>
      %dma_wait3A_21 = tpu.memref_squeeze %dma_wait3A_20 : memref<1x82x128xi32, #tpu.memory_space<hbm>> -> memref<82x128xi32, #tpu.memory_space<hbm>>
      %dma_wait3A_22 = arith.constant 0 : i32
      %dma_wait3A_23 = arith.constant 0 : i32
      %dma_wait3A_24 = tpu.memref_slice %arg3[%add3A, %dma_wait3A_22, %dma_wait3A_23] : memref<32x82x128xi32, #tpu.memory_space<hbm>> -> memref<1x82x128xi32, #tpu.memory_space<hbm>>
      %dma_wait3A_25 = tpu.memref_squeeze %dma_wait3A_24 : memref<1x82x128xi32, #tpu.memory_space<hbm>> -> memref<82x128xi32, #tpu.memory_space<hbm>>
      tpu.wait_dma2 semaphore(%run_scoped3A : memref<!tpu.dma_semaphore, #tpu.memory_space<semaphore_mem>>) src(%dma_wait3A_25 : memref<82x128xi32, #tpu.memory_space<hbm>>) dst(%arg7 : memref<82x128xi32, #tpu.memory_space<vmem>>)
      tpu.yield
    }) : () -> ()
    "tpu.region"() ({
      %run_scoped3A = tpu.sem_alloc : memref<!tpu.dma_semaphore, #tpu.memory_space<semaphore_mem>>
      %dma_start3A = arith.constant 0 : i32
      %dma_start3A_12 = arith.constant 0 : i32
      %dma_start3A_13 = tpu.memref_slice %arg4[%add3A, %dma_start3A, %dma_start3A_12] : memref<32x82x128xi32, #tpu.memory_space<hbm>> -> memref<1x82x128xi32, #tpu.memory_space<hbm>>
      %dma_start3A_14 = tpu.memref_squeeze %dma_start3A_13 : memref<1x82x128xi32, #tpu.memory_space<hbm>> -> memref<82x128xi32, #tpu.memory_space<hbm>>
      %dma_start3A_15 = arith.constant 0 : i32
      %dma_start3A_16 = arith.constant 0 : i32
      %dma_start3A_17 = tpu.memref_slice %arg4[%add3A, %dma_start3A_15, %dma_start3A_16] : memref<32x82x128xi32, #tpu.memory_space<hbm>> -> memref<1x82x128xi32, #tpu.memory_space<hbm>>
      %dma_start3A_18 = tpu.memref_squeeze %dma_start3A_17 : memref<1x82x128xi32, #tpu.memory_space<hbm>> -> memref<82x128xi32, #tpu.memory_space<hbm>>
      tpu.enqueue_dma source(%dma_start3A_18 : memref<82x128xi32, #tpu.memory_space<hbm>>) target(%arg8 : memref<82x128xi32, #tpu.memory_space<vmem>>) target_semaphore(%run_scoped3A : memref<!tpu.dma_semaphore, #tpu.memory_space<semaphore_mem>>)
      %dma_wait3A = arith.constant 0 : i32
      %dma_wait3A_19 = arith.constant 0 : i32
      %dma_wait3A_20 = tpu.memref_slice %arg4[%add3A, %dma_wait3A, %dma_wait3A_19] : memref<32x82x128xi32, #tpu.memory_space<hbm>> -> memref<1x82x128xi32, #tpu.memory_space<hbm>>
      %dma_wait3A_21 = tpu.memref_squeeze %dma_wait3A_20 : memref<1x82x128xi32, #tpu.memory_space<hbm>> -> memref<82x128xi32, #tpu.memory_space<hbm>>
      %dma_wait3A_22 = arith.constant 0 : i32
      %dma_wait3A_23 = arith.constant 0 : i32
      %dma_wait3A_24 = tpu.memref_slice %arg4[%add3A, %dma_wait3A_22, %dma_wait3A_23] : memref<32x82x128xi32, #tpu.memory_space<hbm>> -> memref<1x82x128xi32, #tpu.memory_space<hbm>>
      %dma_wait3A_25 = tpu.memref_squeeze %dma_wait3A_24 : memref<1x82x128xi32, #tpu.memory_space<hbm>> -> memref<82x128xi32, #tpu.memory_space<hbm>>
      tpu.wait_dma2 semaphore(%run_scoped3A : memref<!tpu.dma_semaphore, #tpu.memory_space<semaphore_mem>>) src(%dma_wait3A_25 : memref<82x128xi32, #tpu.memory_space<hbm>>) dst(%arg8 : memref<82x128xi32, #tpu.memory_space<vmem>>)
      tpu.yield
    }) : () -> ()
    %barrier3A = arith.constant 0 : index
    tpu.barrier barrier_id(%barrier3A)
    %scan3A = arith.constant 0 : i32
    %scan3A_3 = arith.constant 0 : i32
    %scan3A_4 = arith.constant 82 : i32
    %scan3A_5 = arith.addi %scan3A_3, %scan3A_4 : i32
    %scan3A_6 = arith.constant 1 : i32
    scf.for %scan3A_12 = %scan3A_3 to %scan3A_5 step %scan3A_6  : i32 {
      %dma_start3A = arith.constant 0 : i32
      %dma_start3A_13 = tpu.memref_slice %arg7[%scan3A_12, %dma_start3A] : memref<82x128xi32, #tpu.memory_space<vmem>> -> memref<1x128xi32, #tpu.memory_space<vmem>>
      %dma_start3A_14 = tpu.memref_squeeze %dma_start3A_13 : memref<1x128xi32, #tpu.memory_space<vmem>> -> memref<128xi32, #tpu.memory_space<vmem>>
      %dma_start3A_15 = arith.constant 0 : i32
      %dma_start3A_16 = arith.constant 0 : i32
      %dma_start3A_17 = tpu.memref_slice %arg2[%dma_start3A_15, %dma_start3A_16] : memref<10240x128xf32, #tpu.memory_space<hbm>> -> memref<10240x128xf32, #tpu.memory_space<hbm>>
      tpu.enqueue_indirect_dma source(%dma_start3A_17 : memref<10240x128xf32, #tpu.memory_space<hbm>>) target(%arg9 : memref<128x128xf32, #tpu.memory_space<vmem>>) offsets(%dma_start3A_14 : memref<128xi32, #tpu.memory_space<vmem>>) semaphore(%arg11 : memref<!tpu.dma_semaphore, #tpu.memory_space<semaphore_mem>>)
      %dma_wait3A = arith.constant 0 : i32
      %dma_wait3A_18 = tpu.memref_slice %arg7[%scan3A_12, %dma_wait3A] : memref<82x128xi32, #tpu.memory_space<vmem>> -> memref<1x128xi32, #tpu.memory_space<vmem>>
      %dma_wait3A_19 = tpu.memref_squeeze %dma_wait3A_18 : memref<1x128xi32, #tpu.memory_space<vmem>> -> memref<128xi32, #tpu.memory_space<vmem>>
      %dma_wait3A_20 = arith.constant 0 : i32
      %dma_wait3A_21 = arith.constant 0 : i32
      %dma_wait3A_22 = tpu.memref_slice %arg2[%dma_wait3A_20, %dma_wait3A_21] : memref<10240x128xf32, #tpu.memory_space<hbm>> -> memref<10240x128xf32, #tpu.memory_space<hbm>>
      tpu.wait_indirect_dma semaphore(%arg11 : memref<!tpu.dma_semaphore, #tpu.memory_space<semaphore_mem>>) src(%dma_wait3A_22 : memref<10240x128xf32, #tpu.memory_space<hbm>>) dst(%arg9 : memref<128x128xf32, #tpu.memory_space<vmem>>)
      "tpu.region"() ({
        %run_scoped3A = tpu.sem_alloc : memref<!tpu.dma_semaphore, #tpu.memory_space<semaphore_mem>>
        %dma_start3A_23 = arith.constant 0 : i32
        %dma_start3A_24 = tpu.memref_slice %arg8[%scan3A_12, %dma_start3A_23] : memref<82x128xi32, #tpu.memory_space<vmem>> -> memref<1x128xi32, #tpu.memory_space<vmem>>
        %dma_start3A_25 = tpu.memref_squeeze %dma_start3A_24 : memref<1x128xi32, #tpu.memory_space<vmem>> -> memref<128xi32, #tpu.memory_space<vmem>>
        %dma_start3A_26 = arith.constant 0 : i32
        %dma_start3A_27 = arith.constant 0 : i32
        %dma_start3A_28 = tpu.memref_slice %arg10[%dma_start3A_26, %dma_start3A_27] : memref<10240x128xf32, #tpu.memory_space<vmem_shared>> -> memref<10240x128xf32, #tpu.memory_space<vmem_shared>>
        tpu.enqueue_indirect_dma source(%arg9 : memref<128x128xf32, #tpu.memory_space<vmem>>) target(%dma_start3A_28 : memref<10240x128xf32, #tpu.memory_space<vmem_shared>>) offsets(%dma_start3A_25 : memref<128xi32, #tpu.memory_space<vmem>>) semaphore(%run_scoped3A : memref<!tpu.dma_semaphore, #tpu.memory_space<semaphore_mem>>) {add = true}
        %dma_wait3A_29 = arith.constant 0 : i32
        %dma_wait3A_30 = tpu.memref_slice %arg8[%scan3A_12, %dma_wait3A_29] : memref<82x128xi32, #tpu.memory_space<vmem>> -> memref<1x128xi32, #tpu.memory_space<vmem>>
        %dma_wait3A_31 = tpu.memref_squeeze %dma_wait3A_30 : memref<1x128xi32, #tpu.memory_space<vmem>> -> memref<128xi32, #tpu.memory_space<vmem>>
        %dma_wait3A_32 = arith.constant 0 : i32
        %dma_wait3A_33 = arith.constant 0 : i32
        %dma_wait3A_34 = tpu.memref_slice %arg10[%dma_wait3A_32, %dma_wait3A_33] : memref<10240x128xf32, #tpu.memory_space<vmem_shared>> -> memref<10240x128xf32, #tpu.memory_space<vmem_shared>>
        tpu.wait_indirect_dma semaphore(%run_scoped3A : memref<!tpu.dma_semaphore, #tpu.memory_space<semaphore_mem>>) src(%arg9 : memref<128x128xf32, #tpu.memory_space<vmem>>) dst(%dma_wait3A_34 : memref<10240x128xf32, #tpu.memory_space<vmem_shared>>)
        tpu.yield
      }) : () -> ()
    }
    %scan3A_7 = arith.constant 82 : i32
    %barrier3A_8 = arith.constant 0 : index
    tpu.barrier barrier_id(%barrier3A_8)
    %mul3A_9 = arith.constant 10240 : i32
    %mul3A_10 = arith.muli %arg0, %mul3A_9 : i32
    %add3A_11 = arith.addi %mul3A_10, %mul3A_2 : i32
    "tpu.region"() ({
      %run_scoped3A = tpu.sem_alloc : memref<!tpu.dma_semaphore, #tpu.memory_space<semaphore_mem>>
      %dma_start3A = arith.constant 0 : i32
      %dma_start3A_12 = tpu.memref_slice %arg6[%add3A_11, %dma_start3A] : memref<20480x128xf32, #tpu.memory_space<hbm>> -> memref<640x128xf32, #tpu.memory_space<hbm>>
      %dma_start3A_13 = arith.constant 0 : i32
      %dma_start3A_14 = tpu.memref_slice %arg10[%mul3A_2, %dma_start3A_13] : memref<10240x128xf32, #tpu.memory_space<vmem_shared>> -> memref<640x128xf32, #tpu.memory_space<vmem_shared>>
      tpu.enqueue_dma source(%dma_start3A_14 : memref<640x128xf32, #tpu.memory_space<vmem_shared>>) target(%dma_start3A_12 : memref<640x128xf32, #tpu.memory_space<hbm>>) target_semaphore(%run_scoped3A : memref<!tpu.dma_semaphore, #tpu.memory_space<semaphore_mem>>)
      %dma_wait3A = arith.constant 0 : i32
      %dma_wait3A_15 = tpu.memref_slice %arg6[%add3A_11, %dma_wait3A] : memref<20480x128xf32, #tpu.memory_space<hbm>> -> memref<640x128xf32, #tpu.memory_space<hbm>>
      %dma_wait3A_16 = arith.constant 0 : i32
      %dma_wait3A_17 = tpu.memref_slice %arg10[%mul3A_2, %dma_wait3A_16] : memref<10240x128xf32, #tpu.memory_space<vmem_shared>> -> memref<640x128xf32, #tpu.memory_space<vmem_shared>>
      tpu.wait_dma2 semaphore(%run_scoped3A : memref<!tpu.dma_semaphore, #tpu.memory_space<semaphore_mem>>) src(%dma_wait3A_17 : memref<640x128xf32, #tpu.memory_space<vmem_shared>>) dst(%dma_wait3A_15 : memref<640x128xf32, #tpu.memory_space<hbm>>)
      tpu.yield
    }) : () -> ()
    return
  }
}

module attributes {stable_mosaic.version = 14 : i64} {
  func.func @_stage_a_body(%arg0: i32, %arg1: memref<256x128xf32, #tpu.memory_space<vmem>>, %arg2: memref<256x128xf32, #tpu.memory_space<vmem>>, %arg3: memref<256x128xf32, #tpu.memory_space<vmem>>, %arg4: memref<128x64xf32, #tpu.memory_space<vmem>>, %arg5: memref<256x1xf32, #tpu.memory_space<vmem>>, %arg6: memref<256x128xf32, #tpu.memory_space<vmem>>) attributes {dimension_semantics = [#tpu.dimension_semantics<arbitrary>], iteration_bounds = array<i64: 40>, scalar_prefetch = 0 : i64, scratch_operands = 0 : i64, tpu.core_type = #tpu.core_type<tc>, window_params = [{transform_indices = @transform_0, window_bounds = array<i64: 256, 128>}, {transform_indices = @transform_1, window_bounds = array<i64: 256, 128>}, {transform_indices = @transform_2, window_bounds = array<i64: 256, 128>}, {pipeline_mode = #tpu.pipeline_mode<synchronous>, transform_indices = @transform_3, window_bounds = array<i64: 128, 64>}, {transform_indices = @transform_4, window_bounds = array<i64: 256, 1>}, {transform_indices = @transform_5, window_bounds = array<i64: 256, 128>}]} {
    %get3A = arith.constant 0 : index
    %get3A_0 = arith.constant 0 : index
    %get3A_1 = vector.load %arg1[%get3A, %get3A_0] : memref<256x128xf32, #tpu.memory_space<vmem>>, vector<256x1xf32>
    %get3A_2 = arith.constant 0 : index
    %get3A_3 = arith.constant 0 : index
    %get3A_4 = vector.load %arg2[%get3A_2, %get3A_3] : memref<256x128xf32, #tpu.memory_space<vmem>>, vector<256x1xf32>
    %add3A = arith.addf %get3A_1, %get3A_4 : vector<256x1xf32>
    %max3A = arith.constant 1.000000e+00 : f32
    %max3A_5 = vector.broadcast %max3A : f32 to vector<256x1xf32>
    %max3A_6 = arith.maximumf %add3A, %max3A_5 : vector<256x1xf32>
    %rsqrt3A = math.rsqrt %max3A_6 : vector<256x1xf32>
    %get3A_7 = arith.constant 0 : index
    %get3A_8 = arith.constant 0 : index
    %get3A_9 = vector.load %arg3[%get3A_7, %get3A_8] : memref<256x128xf32, #tpu.memory_space<vmem>>, vector<256x128xf32>
    %get3A_10 = arith.constant 0 : index
    %get3A_11 = arith.constant 0 : index
    %get3A_12 = vector.load %arg4[%get3A_10, %get3A_11] : memref<128x64xf32, #tpu.memory_space<vmem>>, vector<128x64xf32>
    %dot_general3A = arith.constant dense<0.000000e+00> : vector<256x64xf32>
    %dot_general3A_13 = tpu.matmul %get3A_9, %get3A_12, %dot_general3A {dimension_numbers = #tpu.dot_dimension_numbers<[1], [0], [0], [1], [0, 0, 1, 1], [], []>, transpose_lhs_hint = false} : vector<256x128xf32>, vector<128x64xf32>, vector<256x64xf32> -> vector<256x64xf32>
    %swap3A = arith.constant 0 : index
    %swap3A_14 = arith.constant 0 : index
    %swap3A_15 = vector.load %arg5[%swap3A, %swap3A_14] : memref<256x1xf32, #tpu.memory_space<vmem>>, vector<256x1xf32>
    tpu.vector_store %arg5[%swap3A, %swap3A_14], %rsqrt3A {strides = array<i32>} : memref<256x1xf32, #tpu.memory_space<vmem>>, vector<256x1xf32>,
    %mul3A = vector.broadcast %rsqrt3A : vector<256x1xf32> to vector<256x64xf32>
    %mul3A_16 = arith.mulf %dot_general3A_13, %mul3A : vector<256x64xf32>
    %broadcast_in_dim3A = arith.constant 0.000000e+00 : f32
    %broadcast_in_dim3A_17 = vector.broadcast %broadcast_in_dim3A : f32 to vector<256x64xf32>
    %concatenate3A = tpu.concatenate %mul3A_16, %broadcast_in_dim3A_17 in 1 : vector<256x64xf32>, vector<256x64xf32> -> vector<256x128xf32>
    %swap3A_18 = arith.constant 0 : index
    %swap3A_19 = arith.constant 0 : index
    %swap3A_20 = vector.load %arg6[%swap3A_18, %swap3A_19] : memref<256x128xf32, #tpu.memory_space<vmem>>, vector<256x128xf32>
    tpu.vector_store %arg6[%swap3A_18, %swap3A_19], %concatenate3A {strides = array<i32>} : memref<256x128xf32, #tpu.memory_space<vmem>>, vector<256x128xf32>,
    return
  }
  func.func @transform_0(%arg0: i32) -> (i32, i32) {
    %add3A = arith.constant 0 : i32
    %add3A_0 = arith.addi %arg0, %add3A : i32
    %c0_i32 = arith.constant 0 : i32
    %c0_i32_1 = arith.constant 0 : i32
    return %add3A_0, %c0_i32 : i32, i32
  }
  func.func @transform_1(%arg0: i32) -> (i32, i32) {
    %add3A = arith.constant 40 : i32
    %add3A_0 = arith.addi %arg0, %add3A : i32
    %c0_i32 = arith.constant 0 : i32
    %c0_i32_1 = arith.constant 0 : i32
    return %add3A_0, %c0_i32 : i32, i32
  }
  func.func @transform_2(%arg0: i32) -> (i32, i32) {
    %add3A = arith.constant 0 : i32
    %add3A_0 = arith.addi %arg0, %add3A : i32
    %c0_i32 = arith.constant 0 : i32
    %c0_i32_1 = arith.constant 0 : i32
    return %add3A_0, %c0_i32 : i32, i32
  }
  func.func @transform_3(%arg0: i32) -> (i32, i32) {
    %c0_i32 = arith.constant 0 : i32
    %c0_i32_0 = arith.constant 0 : i32
    %c0_i32_1 = arith.constant 0 : i32
    return %c0_i32, %c0_i32_0 : i32, i32
  }
  func.func @transform_4(%arg0: i32) -> (i32, i32) {
    %add3A = arith.constant 0 : i32
    %add3A_0 = arith.addi %arg0, %add3A : i32
    %c0_i32 = arith.constant 0 : i32
    %c0_i32_1 = arith.constant 0 : i32
    return %add3A_0, %c0_i32 : i32, i32
  }
  func.func @transform_5(%arg0: i32) -> (i32, i32) {
    %add3A = arith.constant 0 : i32
    %add3A_0 = arith.addi %arg0, %add3A : i32
    %c0_i32 = arith.constant 0 : i32
    %c0_i32_1 = arith.constant 0 : i32
    return %add3A_0, %c0_i32 : i32, i32
  }
}

module attributes {stable_mosaic.version = 14 : i64} {
  func.func @_stage_b_body(%arg0: i32, %arg1: memref<256x128xf32, #tpu.memory_space<vmem>>, %arg2: memref<256x128xf32, #tpu.memory_space<vmem>>, %arg3: memref<256x1xf32, #tpu.memory_space<vmem>>, %arg4: memref<1x64xf32, #tpu.memory_space<vmem>>, %arg5: memref<64x64xf32, #tpu.memory_space<vmem>>, %arg6: memref<256x128xf32, #tpu.memory_space<vmem>>) attributes {dimension_semantics = [#tpu.dimension_semantics<arbitrary>], iteration_bounds = array<i64: 40>, scalar_prefetch = 0 : i64, scratch_operands = 0 : i64, tpu.core_type = #tpu.core_type<tc>, window_params = [{transform_indices = @transform_0, window_bounds = array<i64: 256, 128>}, {transform_indices = @transform_1, window_bounds = array<i64: 256, 128>}, {transform_indices = @transform_2, window_bounds = array<i64: 256, 1>}, {pipeline_mode = #tpu.pipeline_mode<synchronous>, transform_indices = @transform_3, window_bounds = array<i64: 1, 64>}, {pipeline_mode = #tpu.pipeline_mode<synchronous>, transform_indices = @transform_4, window_bounds = array<i64: 64, 64>}, {transform_indices = @transform_5, window_bounds = array<i64: 256, 128>}]} {
    %get3A = arith.constant 0 : index
    %get3A_0 = arith.constant 0 : index
    %get3A_1 = vector.load %arg3[%get3A, %get3A_0] : memref<256x1xf32, #tpu.memory_space<vmem>>, vector<256x1xf32>
    %get3A_2 = arith.constant 0 : index
    %get3A_3 = arith.constant 0 : index
    %get3A_4 = vector.load %arg1[%get3A_2, %get3A_3] : memref<256x128xf32, #tpu.memory_space<vmem>>, vector<256x128xf32>
    %get3A_5 = arith.constant 0 : index
    %get3A_6 = arith.constant 0 : index
    %get3A_7 = vector.load %arg2[%get3A_5, %get3A_6] : memref<256x128xf32, #tpu.memory_space<vmem>>, vector<256x128xf32>
    %add3A = arith.addf %get3A_4, %get3A_7 : vector<256x128xf32>
    %slice3A = vector.extract_strided_slice %add3A {offsets = [0, 0], sizes = [256, 64], strides = [1, 1]} : vector<256x128xf32> to vector<256x64xf32>
    %mul3A = vector.broadcast %get3A_1 : vector<256x1xf32> to vector<256x64xf32>
    %mul3A_8 = arith.mulf %mul3A, %slice3A : vector<256x64xf32>
    %get3A_9 = arith.constant 0 : index
    %get3A_10 = arith.constant 0 : index
    %get3A_11 = vector.load %arg4[%get3A_9, %get3A_10] : memref<1x64xf32, #tpu.memory_space<vmem>>, vector<1x64xf32>
    %add3A_12 = vector.broadcast %get3A_11 : vector<1x64xf32> to vector<256x64xf32>
    %add3A_13 = arith.addf %mul3A_8, %add3A_12 : vector<256x64xf32>
    %max3A = arith.constant 0.000000e+00 : f32
    %max3A_14 = vector.broadcast %max3A : f32 to vector<256x64xf32>
    %max3A_15 = arith.maximumf %add3A_13, %max3A_14 : vector<256x64xf32>
    %get3A_16 = arith.constant 0 : index
    %get3A_17 = arith.constant 0 : index
    %get3A_18 = vector.load %arg3[%get3A_16, %get3A_17] : memref<256x1xf32, #tpu.memory_space<vmem>>, vector<256x1xf32>
    %get3A_19 = arith.constant 0 : index
    %get3A_20 = arith.constant 0 : index
    %get3A_21 = vector.load %arg5[%get3A_19, %get3A_20] : memref<64x64xf32, #tpu.memory_space<vmem>>, vector<64x64xf32>
    %dot_general3A = arith.constant dense<0.000000e+00> : vector<256x64xf32>
    %dot_general3A_22 = tpu.matmul %max3A_15, %get3A_21, %dot_general3A {dimension_numbers = #tpu.dot_dimension_numbers<[1], [0], [0], [1], [0, 0, 1, 1], [], []>, transpose_lhs_hint = false} : vector<256x64xf32>, vector<64x64xf32>, vector<256x64xf32> -> vector<256x64xf32>
    %mul3A_23 = vector.broadcast %get3A_18 : vector<256x1xf32> to vector<256x64xf32>
    %mul3A_24 = arith.mulf %mul3A_23, %dot_general3A_22 : vector<256x64xf32>
    %broadcast_in_dim3A = arith.constant 0.000000e+00 : f32
    %broadcast_in_dim3A_25 = vector.broadcast %broadcast_in_dim3A : f32 to vector<256x64xf32>
    %concatenate3A = tpu.concatenate %mul3A_24, %broadcast_in_dim3A_25 in 1 : vector<256x64xf32>, vector<256x64xf32> -> vector<256x128xf32>
    %swap3A = arith.constant 0 : index
    %swap3A_26 = arith.constant 0 : index
    %swap3A_27 = vector.load %arg6[%swap3A, %swap3A_26] : memref<256x128xf32, #tpu.memory_space<vmem>>, vector<256x128xf32>
    tpu.vector_store %arg6[%swap3A, %swap3A_26], %concatenate3A {strides = array<i32>} : memref<256x128xf32, #tpu.memory_space<vmem>>, vector<256x128xf32>,
    return
  }
  func.func @transform_0(%arg0: i32) -> (i32, i32) {
    %add3A = arith.constant 0 : i32
    %add3A_0 = arith.addi %arg0, %add3A : i32
    %c0_i32 = arith.constant 0 : i32
    %c0_i32_1 = arith.constant 0 : i32
    return %add3A_0, %c0_i32 : i32, i32
  }
  func.func @transform_1(%arg0: i32) -> (i32, i32) {
    %add3A = arith.constant 40 : i32
    %add3A_0 = arith.addi %arg0, %add3A : i32
    %c0_i32 = arith.constant 0 : i32
    %c0_i32_1 = arith.constant 0 : i32
    return %add3A_0, %c0_i32 : i32, i32
  }
  func.func @transform_2(%arg0: i32) -> (i32, i32) {
    %add3A = arith.constant 0 : i32
    %add3A_0 = arith.addi %arg0, %add3A : i32
    %c0_i32 = arith.constant 0 : i32
    %c0_i32_1 = arith.constant 0 : i32
    return %add3A_0, %c0_i32 : i32, i32
  }
  func.func @transform_3(%arg0: i32) -> (i32, i32) {
    %c0_i32 = arith.constant 0 : i32
    %c0_i32_0 = arith.constant 0 : i32
    %c0_i32_1 = arith.constant 0 : i32
    return %c0_i32, %c0_i32_0 : i32, i32
  }
  func.func @transform_4(%arg0: i32) -> (i32, i32) {
    %c0_i32 = arith.constant 0 : i32
    %c0_i32_0 = arith.constant 0 : i32
    %c0_i32_1 = arith.constant 0 : i32
    return %c0_i32, %c0_i32_0 : i32, i32
  }
  func.func @transform_5(%arg0: i32) -> (i32, i32) {
    %add3A = arith.constant 0 : i32
    %add3A_0 = arith.addi %arg0, %add3A : i32
    %c0_i32 = arith.constant 0 : i32
    %c0_i32_1 = arith.constant 0 : i32
    return %add3A_0, %c0_i32 : i32, i32
  }
}

module attributes {stable_mosaic.version = 14 : i64} {
  func.func @_stage_b2_body(%arg0: i32, %arg1: memref<256x128xf32, #tpu.memory_space<vmem>>, %arg2: memref<256x128xf32, #tpu.memory_space<vmem>>, %arg3: memref<256x1xf32, #tpu.memory_space<vmem>>, %arg4: memref<1x64xf32, #tpu.memory_space<vmem>>, %arg5: memref<64x64xf32, #tpu.memory_space<vmem>>, %arg6: memref<64x64xf32, #tpu.memory_space<vmem>>, %arg7: memref<256x128xf32, #tpu.memory_space<vmem>>) attributes {dimension_semantics = [#tpu.dimension_semantics<arbitrary>], iteration_bounds = array<i64: 40>, scalar_prefetch = 0 : i64, scratch_operands = 0 : i64, tpu.core_type = #tpu.core_type<tc>, window_params = [{transform_indices = @transform_0, window_bounds = array<i64: 256, 128>}, {transform_indices = @transform_1, window_bounds = array<i64: 256, 128>}, {transform_indices = @transform_2, window_bounds = array<i64: 256, 1>}, {pipeline_mode = #tpu.pipeline_mode<synchronous>, transform_indices = @transform_3, window_bounds = array<i64: 1, 64>}, {pipeline_mode = #tpu.pipeline_mode<synchronous>, transform_indices = @transform_4, window_bounds = array<i64: 64, 64>}, {pipeline_mode = #tpu.pipeline_mode<synchronous>, transform_indices = @transform_5, window_bounds = array<i64: 64, 64>}, {transform_indices = @transform_6, window_bounds = array<i64: 256, 128>}]} {
    %get3A = arith.constant 0 : index
    %get3A_0 = arith.constant 0 : index
    %get3A_1 = vector.load %arg3[%get3A, %get3A_0] : memref<256x1xf32, #tpu.memory_space<vmem>>, vector<256x1xf32>
    %get3A_2 = arith.constant 0 : index
    %get3A_3 = arith.constant 0 : index
    %get3A_4 = vector.load %arg1[%get3A_2, %get3A_3] : memref<256x128xf32, #tpu.memory_space<vmem>>, vector<256x128xf32>
    %get3A_5 = arith.constant 0 : index
    %get3A_6 = arith.constant 0 : index
    %get3A_7 = vector.load %arg2[%get3A_5, %get3A_6] : memref<256x128xf32, #tpu.memory_space<vmem>>, vector<256x128xf32>
    %add3A = arith.addf %get3A_4, %get3A_7 : vector<256x128xf32>
    %slice3A = vector.extract_strided_slice %add3A {offsets = [0, 0], sizes = [256, 64], strides = [1, 1]} : vector<256x128xf32> to vector<256x64xf32>
    %mul3A = vector.broadcast %get3A_1 : vector<256x1xf32> to vector<256x64xf32>
    %mul3A_8 = arith.mulf %mul3A, %slice3A : vector<256x64xf32>
    %get3A_9 = arith.constant 0 : index
    %get3A_10 = arith.constant 0 : index
    %get3A_11 = vector.load %arg4[%get3A_9, %get3A_10] : memref<1x64xf32, #tpu.memory_space<vmem>>, vector<1x64xf32>
    %add3A_12 = vector.broadcast %get3A_11 : vector<1x64xf32> to vector<256x64xf32>
    %add3A_13 = arith.addf %mul3A_8, %add3A_12 : vector<256x64xf32>
    %max3A = arith.constant 0.000000e+00 : f32
    %max3A_14 = vector.broadcast %max3A : f32 to vector<256x64xf32>
    %max3A_15 = arith.maximumf %add3A_13, %max3A_14 : vector<256x64xf32>
    %get3A_16 = arith.constant 0 : index
    %get3A_17 = arith.constant 0 : index
    %get3A_18 = vector.load %arg5[%get3A_16, %get3A_17] : memref<64x64xf32, #tpu.memory_space<vmem>>, vector<64x64xf32>
    %dot_general3A = arith.constant dense<0.000000e+00> : vector<256x64xf32>
    %dot_general3A_19 = tpu.matmul %max3A_15, %get3A_18, %dot_general3A {dimension_numbers = #tpu.dot_dimension_numbers<[1], [0], [0], [1], [0, 0, 1, 1], [], []>, transpose_lhs_hint = false} : vector<256x64xf32>, vector<64x64xf32>, vector<256x64xf32> -> vector<256x64xf32>
    %get3A_20 = arith.constant 0 : index
    %get3A_21 = arith.constant 0 : index
    %get3A_22 = vector.load %arg6[%get3A_20, %get3A_21] : memref<64x64xf32, #tpu.memory_space<vmem>>, vector<64x64xf32>
    %dot_general3A_23 = arith.constant dense<0.000000e+00> : vector<256x64xf32>
    %dot_general3A_24 = tpu.matmul %max3A_15, %get3A_22, %dot_general3A_23 {dimension_numbers = #tpu.dot_dimension_numbers<[1], [0], [0], [1], [0, 0, 1, 1], [], []>, transpose_lhs_hint = false} : vector<256x64xf32>, vector<64x64xf32>, vector<256x64xf32> -> vector<256x64xf32>
    %get3A_25 = arith.constant 0 : index
    %get3A_26 = arith.constant 0 : index
    %get3A_27 = vector.load %arg3[%get3A_25, %get3A_26] : memref<256x1xf32, #tpu.memory_space<vmem>>, vector<256x1xf32>
    %concatenate3A = tpu.concatenate %dot_general3A_19, %dot_general3A_24 in 1 : vector<256x64xf32>, vector<256x64xf32> -> vector<256x128xf32>
    %mul3A_28 = vector.broadcast %get3A_27 : vector<256x1xf32> to vector<256x128xf32>
    %mul3A_29 = arith.mulf %mul3A_28, %concatenate3A : vector<256x128xf32>
    %swap3A = arith.constant 0 : index
    %swap3A_30 = arith.constant 0 : index
    %swap3A_31 = vector.load %arg7[%swap3A, %swap3A_30] : memref<256x128xf32, #tpu.memory_space<vmem>>, vector<256x128xf32>
    tpu.vector_store %arg7[%swap3A, %swap3A_30], %mul3A_29 {strides = array<i32>} : memref<256x128xf32, #tpu.memory_space<vmem>>, vector<256x128xf32>,
    return
  }
  func.func @transform_0(%arg0: i32) -> (i32, i32) {
    %add3A = arith.constant 0 : i32
    %add3A_0 = arith.addi %arg0, %add3A : i32
    %c0_i32 = arith.constant 0 : i32
    %c0_i32_1 = arith.constant 0 : i32
    return %add3A_0, %c0_i32 : i32, i32
  }
  func.func @transform_1(%arg0: i32) -> (i32, i32) {
    %add3A = arith.constant 40 : i32
    %add3A_0 = arith.addi %arg0, %add3A : i32
    %c0_i32 = arith.constant 0 : i32
    %c0_i32_1 = arith.constant 0 : i32
    return %add3A_0, %c0_i32 : i32, i32
  }
  func.func @transform_2(%arg0: i32) -> (i32, i32) {
    %add3A = arith.constant 0 : i32
    %add3A_0 = arith.addi %arg0, %add3A : i32
    %c0_i32 = arith.constant 0 : i32
    %c0_i32_1 = arith.constant 0 : i32
    return %add3A_0, %c0_i32 : i32, i32
  }
  func.func @transform_3(%arg0: i32) -> (i32, i32) {
    %c0_i32 = arith.constant 0 : i32
    %c0_i32_0 = arith.constant 0 : i32
    %c0_i32_1 = arith.constant 0 : i32
    return %c0_i32, %c0_i32_0 : i32, i32
  }
  func.func @transform_4(%arg0: i32) -> (i32, i32) {
    %c0_i32 = arith.constant 0 : i32
    %c0_i32_0 = arith.constant 0 : i32
    %c0_i32_1 = arith.constant 0 : i32
    return %c0_i32, %c0_i32_0 : i32, i32
  }
  func.func @transform_5(%arg0: i32) -> (i32, i32) {
    %c0_i32 = arith.constant 0 : i32
    %c0_i32_0 = arith.constant 0 : i32
    %c0_i32_1 = arith.constant 0 : i32
    return %c0_i32, %c0_i32_0 : i32, i32
  }
  func.func @transform_6(%arg0: i32) -> (i32, i32) {
    %add3A = arith.constant 0 : i32
    %add3A_0 = arith.addi %arg0, %add3A : i32
    %c0_i32 = arith.constant 0 : i32
    %c0_i32_1 = arith.constant 0 : i32
    return %add3A_0, %c0_i32 : i32, i32
  }
}

module attributes {stable_mosaic.version = 14 : i64} {
  func.func @_stage_c_body(%arg0: i32, %arg1: memref<256x128xf32, #tpu.memory_space<vmem>>, %arg2: memref<256x128xf32, #tpu.memory_space<vmem>>, %arg3: memref<256x1xf32, #tpu.memory_space<vmem>>, %arg4: memref<1x64xf32, #tpu.memory_space<vmem>>, %arg5: memref<1x64xf32, #tpu.memory_space<vmem>>, %arg6: memref<64x128xf32, #tpu.memory_space<vmem>>, %arg7: memref<256x128xf32, #tpu.memory_space<vmem>>, %arg8: memref<256x64xf32, #tpu.memory_space<vmem>>) attributes {dimension_semantics = [#tpu.dimension_semantics<arbitrary>], iteration_bounds = array<i64: 40>, scalar_prefetch = 0 : i64, scratch_operands = 0 : i64, tpu.core_type = #tpu.core_type<tc>, window_params = [{transform_indices = @transform_0, window_bounds = array<i64: 256, 128>}, {transform_indices = @transform_1, window_bounds = array<i64: 256, 128>}, {transform_indices = @transform_2, window_bounds = array<i64: 256, 1>}, {pipeline_mode = #tpu.pipeline_mode<synchronous>, transform_indices = @transform_3, window_bounds = array<i64: 1, 64>}, {pipeline_mode = #tpu.pipeline_mode<synchronous>, transform_indices = @transform_4, window_bounds = array<i64: 1, 64>}, {pipeline_mode = #tpu.pipeline_mode<synchronous>, transform_indices = @transform_5, window_bounds = array<i64: 64, 128>}, {transform_indices = @transform_6, window_bounds = array<i64: 256, 128>}, {transform_indices = @transform_7, window_bounds = array<i64: 256, 64>}]} {
    %get3A = arith.constant 0 : index
    %get3A_0 = arith.constant 0 : index
    %get3A_1 = vector.load %arg3[%get3A, %get3A_0] : memref<256x1xf32, #tpu.memory_space<vmem>>, vector<256x1xf32>
    %get3A_2 = arith.constant 0 : index
    %get3A_3 = arith.constant 0 : index
    %get3A_4 = vector.load %arg1[%get3A_2, %get3A_3] : memref<256x128xf32, #tpu.memory_space<vmem>>, vector<256x128xf32>
    %get3A_5 = arith.constant 0 : index
    %get3A_6 = arith.constant 0 : index
    %get3A_7 = vector.load %arg2[%get3A_5, %get3A_6] : memref<256x128xf32, #tpu.memory_space<vmem>>, vector<256x128xf32>
    %add3A = arith.addf %get3A_4, %get3A_7 : vector<256x128xf32>
    %mul3A = vector.broadcast %get3A_1 : vector<256x1xf32> to vector<256x128xf32>
    %mul3A_8 = arith.mulf %mul3A, %add3A : vector<256x128xf32>
    %slice3A = vector.extract_strided_slice %mul3A_8 {offsets = [0, 0], sizes = [256, 64], strides = [1, 1]} : vector<256x128xf32> to vector<256x64xf32>
    %get3A_9 = arith.constant 0 : index
    %get3A_10 = arith.constant 0 : index
    %get3A_11 = vector.load %arg4[%get3A_9, %get3A_10] : memref<1x64xf32, #tpu.memory_space<vmem>>, vector<1x64xf32>
    %add3A_12 = vector.broadcast %get3A_11 : vector<1x64xf32> to vector<256x64xf32>
    %add3A_13 = arith.addf %slice3A, %add3A_12 : vector<256x64xf32>
    %max3A = arith.constant 0.000000e+00 : f32
    %max3A_14 = vector.broadcast %max3A : f32 to vector<256x64xf32>
    %max3A_15 = arith.maximumf %add3A_13, %max3A_14 : vector<256x64xf32>
    %slice3A_16 = vector.extract_strided_slice %mul3A_8 {offsets = [0, 64], sizes = [256, 64], strides = [1, 1]} : vector<256x128xf32> to vector<256x64xf32>
    %get3A_17 = arith.constant 0 : index
    %get3A_18 = arith.constant 0 : index
    %get3A_19 = vector.load %arg5[%get3A_17, %get3A_18] : memref<1x64xf32, #tpu.memory_space<vmem>>, vector<1x64xf32>
    %add3A_20 = vector.broadcast %get3A_19 : vector<1x64xf32> to vector<256x64xf32>
    %add3A_21 = arith.addf %slice3A_16, %add3A_20 : vector<256x64xf32>
    %max3A_22 = arith.constant 0.000000e+00 : f32
    %max3A_23 = vector.broadcast %max3A_22 : f32 to vector<256x64xf32>
    %max3A_24 = arith.maximumf %add3A_21, %max3A_23 : vector<256x64xf32>
    %get3A_25 = arith.constant 0 : index
    %get3A_26 = arith.constant 0 : index
    %get3A_27 = vector.load %arg3[%get3A_25, %get3A_26] : memref<256x1xf32, #tpu.memory_space<vmem>>, vector<256x1xf32>
    %get3A_28 = arith.constant 0 : index
    %get3A_29 = arith.constant 0 : index
    %get3A_30 = vector.load %arg6[%get3A_28, %get3A_29] : memref<64x128xf32, #tpu.memory_space<vmem>>, vector<64x128xf32>
    %dot_general3A = arith.constant dense<0.000000e+00> : vector<256x128xf32>
    %dot_general3A_31 = tpu.matmul %max3A_15, %get3A_30, %dot_general3A {dimension_numbers = #tpu.dot_dimension_numbers<[1], [0], [0], [1], [0, 0, 1, 1], [], []>, transpose_lhs_hint = false} : vector<256x64xf32>, vector<64x128xf32>, vector<256x128xf32> -> vector<256x128xf32>
    %mul3A_32 = vector.broadcast %get3A_27 : vector<256x1xf32> to vector<256x128xf32>
    %mul3A_33 = arith.mulf %mul3A_32, %dot_general3A_31 : vector<256x128xf32>
    %swap3A = arith.constant 0 : index
    %swap3A_34 = arith.constant 0 : index
    %swap3A_35 = vector.load %arg7[%swap3A, %swap3A_34] : memref<256x128xf32, #tpu.memory_space<vmem>>, vector<256x128xf32>
    tpu.vector_store %arg7[%swap3A, %swap3A_34], %mul3A_33 {strides = array<i32>} : memref<256x128xf32, #tpu.memory_space<vmem>>, vector<256x128xf32>,
    %swap3A_36 = arith.constant 0 : index
    %swap3A_37 = arith.constant 0 : index
    %swap3A_38 = vector.load %arg8[%swap3A_36, %swap3A_37] : memref<256x64xf32, #tpu.memory_space<vmem>>, vector<256x64xf32>
    tpu.vector_store %arg8[%swap3A_36, %swap3A_37], %max3A_24 {strides = array<i32>} : memref<256x64xf32, #tpu.memory_space<vmem>>, vector<256x64xf32>,
    return
  }
  func.func @transform_0(%arg0: i32) -> (i32, i32) {
    %add3A = arith.constant 0 : i32
    %add3A_0 = arith.addi %arg0, %add3A : i32
    %c0_i32 = arith.constant 0 : i32
    %c0_i32_1 = arith.constant 0 : i32
    return %add3A_0, %c0_i32 : i32, i32
  }
  func.func @transform_1(%arg0: i32) -> (i32, i32) {
    %add3A = arith.constant 40 : i32
    %add3A_0 = arith.addi %arg0, %add3A : i32
    %c0_i32 = arith.constant 0 : i32
    %c0_i32_1 = arith.constant 0 : i32
    return %add3A_0, %c0_i32 : i32, i32
  }
  func.func @transform_2(%arg0: i32) -> (i32, i32) {
    %add3A = arith.constant 0 : i32
    %add3A_0 = arith.addi %arg0, %add3A : i32
    %c0_i32 = arith.constant 0 : i32
    %c0_i32_1 = arith.constant 0 : i32
    return %add3A_0, %c0_i32 : i32, i32
  }
  func.func @transform_3(%arg0: i32) -> (i32, i32) {
    %c0_i32 = arith.constant 0 : i32
    %c0_i32_0 = arith.constant 0 : i32
    %c0_i32_1 = arith.constant 0 : i32
    return %c0_i32, %c0_i32_0 : i32, i32
  }
  func.func @transform_4(%arg0: i32) -> (i32, i32) {
    %c0_i32 = arith.constant 0 : i32
    %c0_i32_0 = arith.constant 0 : i32
    %c0_i32_1 = arith.constant 0 : i32
    return %c0_i32, %c0_i32_0 : i32, i32
  }
  func.func @transform_5(%arg0: i32) -> (i32, i32) {
    %c0_i32 = arith.constant 0 : i32
    %c0_i32_0 = arith.constant 0 : i32
    %c0_i32_1 = arith.constant 0 : i32
    return %c0_i32, %c0_i32_0 : i32, i32
  }
  func.func @transform_6(%arg0: i32) -> (i32, i32) {
    %add3A = arith.constant 0 : i32
    %add3A_0 = arith.addi %arg0, %add3A : i32
    %c0_i32 = arith.constant 0 : i32
    %c0_i32_1 = arith.constant 0 : i32
    return %add3A_0, %c0_i32 : i32, i32
  }
  func.func @transform_7(%arg0: i32) -> (i32, i32) {
    %add3A = arith.constant 0 : i32
    %add3A_0 = arith.addi %arg0, %add3A : i32
    %c0_i32 = arith.constant 0 : i32
    %c0_i32_1 = arith.constant 0 : i32
    return %add3A_0, %c0_i32 : i32, i32
  }
}

module attributes {stable_mosaic.version = 14 : i64} {
  func.func @_ahat_body(%arg0: i32, %arg1: memref<256x64xf32, #tpu.memory_space<vmem>>, %arg2: memref<64x10000xf32, #tpu.memory_space<vmem>>, %arg3: memref<256x10000xf32, #tpu.memory_space<vmem>>) attributes {dimension_semantics = [#tpu.dimension_semantics<arbitrary>], iteration_bounds = array<i64: 40>, scalar_prefetch = 0 : i64, scratch_operands = 0 : i64, tpu.core_type = #tpu.core_type<tc>, window_params = [{transform_indices = @transform_0, window_bounds = array<i64: 256, 64>}, {pipeline_mode = #tpu.pipeline_mode<synchronous>, transform_indices = @transform_1, window_bounds = array<i64: 64, 10000>}, {transform_indices = @transform_2, window_bounds = array<i64: 256, 10000>}]} {
    %get3A = arith.constant 0 : index
    %get3A_0 = arith.constant 0 : index
    %get3A_1 = vector.load %arg1[%get3A, %get3A_0] : memref<256x64xf32, #tpu.memory_space<vmem>>, vector<256x64xf32>
    %get3A_2 = arith.constant 0 : index
    %get3A_3 = arith.constant 0 : index
    %get3A_4 = vector.load %arg2[%get3A_2, %get3A_3] : memref<64x10000xf32, #tpu.memory_space<vmem>>, vector<64x10000xf32>
    %dot_general3A = arith.constant dense<0.000000e+00> : vector<256x10000xf32>
    %dot_general3A_5 = tpu.matmul %get3A_1, %get3A_4, %dot_general3A {dimension_numbers = #tpu.dot_dimension_numbers<[1], [0], [0], [1], [0, 0, 1, 1], [], []>, transpose_lhs_hint = false} : vector<256x64xf32>, vector<64x10000xf32>, vector<256x10000xf32> -> vector<256x10000xf32>
    %swap3A = arith.constant 0 : index
    %swap3A_6 = arith.constant 0 : index
    %swap3A_7 = vector.load %arg3[%swap3A, %swap3A_6] : memref<256x10000xf32, #tpu.memory_space<vmem>>, vector<256x10000xf32>
    tpu.vector_store %arg3[%swap3A, %swap3A_6], %dot_general3A_5 {strides = array<i32>} : memref<256x10000xf32, #tpu.memory_space<vmem>>, vector<256x10000xf32>,
    return
  }
  func.func @transform_0(%arg0: i32) -> (i32, i32) {
    %c0_i32 = arith.constant 0 : i32
    %c0_i32_0 = arith.constant 0 : i32
    return %arg0, %c0_i32 : i32, i32
  }
  func.func @transform_1(%arg0: i32) -> (i32, i32) {
    %c0_i32 = arith.constant 0 : i32
    %c0_i32_0 = arith.constant 0 : i32
    %c0_i32_1 = arith.constant 0 : i32
    return %c0_i32, %c0_i32_0 : i32, i32
  }
  func.func @transform_2(%arg0: i32) -> (i32, i32) {
    %c0_i32 = arith.constant 0 : i32
    %c0_i32_0 = arith.constant 0 : i32
    return %arg0, %c0_i32 : i32, i32
  }
}

module attributes {stable_mosaic.version = 14 : i64} {
  func.func @_stage_d_body(%arg0: i32, %arg1: memref<256x128xf32, #tpu.memory_space<vmem>>, %arg2: memref<256x128xf32, #tpu.memory_space<vmem>>, %arg3: memref<256x1xf32, #tpu.memory_space<vmem>>, %arg4: memref<1x128xf32, #tpu.memory_space<vmem>>, %arg5: memref<256x128xf32, #tpu.memory_space<vmem>>) attributes {dimension_semantics = [#tpu.dimension_semantics<arbitrary>], iteration_bounds = array<i64: 40>, scalar_prefetch = 0 : i64, scratch_operands = 0 : i64, tpu.core_type = #tpu.core_type<tc>, window_params = [{transform_indices = @transform_0, window_bounds = array<i64: 256, 128>}, {transform_indices = @transform_1, window_bounds = array<i64: 256, 128>}, {transform_indices = @transform_2, window_bounds = array<i64: 256, 1>}, {pipeline_mode = #tpu.pipeline_mode<synchronous>, transform_indices = @transform_3, window_bounds = array<i64: 1, 128>}, {transform_indices = @transform_4, window_bounds = array<i64: 256, 128>}]} {
    %get3A = arith.constant 0 : index
    %get3A_0 = arith.constant 0 : index
    %get3A_1 = vector.load %arg3[%get3A, %get3A_0] : memref<256x1xf32, #tpu.memory_space<vmem>>, vector<256x1xf32>
    %get3A_2 = arith.constant 0 : index
    %get3A_3 = arith.constant 0 : index
    %get3A_4 = vector.load %arg1[%get3A_2, %get3A_3] : memref<256x128xf32, #tpu.memory_space<vmem>>, vector<256x128xf32>
    %get3A_5 = arith.constant 0 : index
    %get3A_6 = arith.constant 0 : index
    %get3A_7 = vector.load %arg2[%get3A_5, %get3A_6] : memref<256x128xf32, #tpu.memory_space<vmem>>, vector<256x128xf32>
    %add3A = arith.addf %get3A_4, %get3A_7 : vector<256x128xf32>
    %mul3A = vector.broadcast %get3A_1 : vector<256x1xf32> to vector<256x128xf32>
    %mul3A_8 = arith.mulf %mul3A, %add3A : vector<256x128xf32>
    %get3A_9 = arith.constant 0 : index
    %get3A_10 = arith.constant 0 : index
    %get3A_11 = vector.load %arg4[%get3A_9, %get3A_10] : memref<1x128xf32, #tpu.memory_space<vmem>>, vector<1x128xf32>
    %add3A_12 = vector.broadcast %get3A_11 : vector<1x128xf32> to vector<256x128xf32>
    %add3A_13 = arith.addf %mul3A_8, %add3A_12 : vector<256x128xf32>
    %max3A = arith.constant 0.000000e+00 : f32
    %max3A_14 = vector.broadcast %max3A : f32 to vector<256x128xf32>
    %max3A_15 = arith.maximumf %add3A_13, %max3A_14 : vector<256x128xf32>
    %swap3A = arith.constant 0 : index
    %swap3A_16 = arith.constant 0 : index
    %swap3A_17 = vector.load %arg5[%swap3A, %swap3A_16] : memref<256x128xf32, #tpu.memory_space<vmem>>, vector<256x128xf32>
    tpu.vector_store %arg5[%swap3A, %swap3A_16], %max3A_15 {strides = array<i32>} : memref<256x128xf32, #tpu.memory_space<vmem>>, vector<256x128xf32>,
    return
  }
  func.func @transform_0(%arg0: i32) -> (i32, i32) {
    %add3A = arith.constant 0 : i32
    %add3A_0 = arith.addi %arg0, %add3A : i32
    %c0_i32 = arith.constant 0 : i32
    %c0_i32_1 = arith.constant 0 : i32
    return %add3A_0, %c0_i32 : i32, i32
  }
  func.func @transform_1(%arg0: i32) -> (i32, i32) {
    %add3A = arith.constant 40 : i32
    %add3A_0 = arith.addi %arg0, %add3A : i32
    %c0_i32 = arith.constant 0 : i32
    %c0_i32_1 = arith.constant 0 : i32
    return %add3A_0, %c0_i32 : i32, i32
  }
  func.func @transform_2(%arg0: i32) -> (i32, i32) {
    %add3A = arith.constant 0 : i32
    %add3A_0 = arith.addi %arg0, %add3A : i32
    %c0_i32 = arith.constant 0 : i32
    %c0_i32_1 = arith.constant 0 : i32
    return %add3A_0, %c0_i32 : i32, i32
  }
  func.func @transform_3(%arg0: i32) -> (i32, i32) {
    %c0_i32 = arith.constant 0 : i32
    %c0_i32_0 = arith.constant 0 : i32
    %c0_i32_1 = arith.constant 0 : i32
    return %c0_i32, %c0_i32_0 : i32, i32
  }
  func.func @transform_4(%arg0: i32) -> (i32, i32) {
    %add3A = arith.constant 0 : i32
    %add3A_0 = arith.addi %arg0, %add3A : i32
    %c0_i32 = arith.constant 0 : i32
    %c0_i32_1 = arith.constant 0 : i32
    return %add3A_0, %c0_i32 : i32, i32
  }
}

</mosaic_0001>

<sc_bundles>
// kernel: kernel.13.cloned.1.call-start
scs
__scs_entry_jumppad:
0x0: {  	(pc) =	sbr.rel $0x88, $3  }
0x1: {  	(tag) =	ssettag $0x0;
	lr =	simm.s32 $0x1  }
0x2: {  	[smem:$0x3F95] =	sst lr;
	_ =	strace $0xD0000000  }
0x3: {  	_ = 	snop  }
0x4: {  	_ = 	snop  }
0x5: {  	_ = 	snop  }
0x6: {  	_ = 	snop  }
0x7: {  	_ = 	snop  }
__scs_overlays_trampoline_lowered:
0x8: {  	[smem:$0x3FA4] =	sst s0  }
0x9: {  	[smem:$0x3FA5] =	sst s1  }
0xa: {  	[smem:$0x3FA6] =	sst s2  }
0xb: {  	[smem:$0x3FA7] =	sst s3  }
0xc: {  	[smem:$0x3FA8] =	sst s4  }
0xd: {  	[smem:$0x3FA9] =	sst s5  }
0xe: {  	[smem:$0x3FAA] =	sst s6  }
0xf: {  	[smem:$0x3FAB] =	sst s7  }
0x10: {  	[smem:$0x3FAC] =	sst s8  }
0x11: {  	[smem:$0x3FAD] =	sst s9;
	s0 =	simm.s32 @!p0 $0x0  }
0x12: {  	s1 =	sld [smem:$0x3F93];
	s0 =	simm.s32 @p0 $0x1  }
0x13: {  	[smem:$0x3FAE] =	sst s0;
	s0 =	simm.s32 @!p1 $0x0  }
0x14: {  	s2 =	sld [smem:$0x3F92];
	s0 =	simm.s32 @p1 $0x1  }
0x15: {  	[smem:$0x3FAF] =	sst s0;
	s0 =	simm.s32 @!p2 $0x0  }
0x16: {  	s3 =	sld [smem:$0x3FDB];
	s0 =	simm.s32 @p2 $0x1  }
0x17: {  	s4 =	simm.s32 $0x1BF5;
	[smem:$0x3FB1] =	sst s0  }
0x18: {  	s0 =	sld [smem:$0x3F94];
	_ =	swait.ge [sflag:s4], $0x0  }
0x19: {  	s7 =	sld [smem:$0x3F95]  }
0x1a: {  	s8 =	sadd.s32 $0xFFFFE003, lr  }
0x1b: {  	s9 =	sadd.s32 $0xFFFFFEF7, lr;
	s5 =	simm.s32 $0xFFFFFFFF;
	p2 =	slt.u32 s8, $0xFFFFF086  }
0x1c: {  	p1 =	slt.u32 s9, $0xF7A;
	s5 =	simm.s32 @!p2 $0x0  }
0x1d: {  	s5 =	simm.s32 @p1 $0x1;
	p0 =	seq.s32 s7, s2  }
0x1e: {  	s7 =	smul.u32 @!p0 $0xF7A, s2;
	p2 =	seq.s32 @!p0 s5, $0x0  }
0x1f: {  	s9 =	smul.u32 $0xF7A, s1;
	s8 =	simm.s32 @!p0 $0x1BF5;
	p2 =	por !p2, p0  }
0x20: {  	[sflag:s8] =	ssyncset.s32 @!p0 $0xFFFFF086;
	s6 =	sadd.s32 @!p0 s3, s7;
	s7 =	simm.s32 @!p0 $0x108  }
0x21: {  	s3 =	sadd.s32 s3, s9;
	s6 =	sadd.s32 @!p0 $0x88, s6;
	s7 =	simm.s32 @p2 $0x1082  }
0x22: {  	[simem:s7], [sflag:s8] =	dma.local @!p0 [hbm:s6], $0xF7A  }
0x23: {  	s9 =	sor.u32 $0xD0000000, s2;
	s6 =	simm.s32 $0x108;
	_ =	swait.ge @!p0 [sflag:s8], $0x0  }
0x24: {  	s3 =	sadd.s32 $0x88, s3;
	s6 =	simm.s32 @!p1 $0x1082;
	[sflag:s4] =	ssyncset.s32 $0xFFFFF086  }
0x25: {  	[simem:s6], [sflag:s4] =	dma.local [hbm:s3], $0xF7A  }
0x26: {  	[smem:$0x3F95] =	sst s1;
	(tag) =	ssettag s2;
	_ =	strace s9  }
0x27: {  	s1 =	sld [smem:$0x3FA5]  }
0x28: {  	s2 =	sld [smem:$0x3FA6]  }
0x29: {  	s4 =	sld [smem:$0x3FA8]  }
0x2a: {  	p0 =	seq.s32 s5, $0x0;
	s5 =	sld [smem:$0x3FA9]  }
0x2b: {  	s6 =	sld [smem:$0x3FAA]  }
0x2c: {  	s7 =	sld [smem:$0x3FAB]  }
0x2d: {  	s3 =	simm.s32 $0x108;
	s8 =	sld [smem:$0x3FAC]  }
0x2e: {  	s3 =	simm.s32 @!p0 $0x1082;
	s9 =	sld [smem:$0x3FAD]  }
0x2f: {  	lr =	sadd.s32 s0, s3;
	s0 =	sld [smem:$0x3FA4]  }
0x30: {  	s3 =	sld [smem:$0x3FA7]  }
0x31: {  	[smem:$0x3FB0] =	sst s10  }
0x32: {  	s10 =	sld [smem:$0x3FAE];
	_ =	sdelay $0x3  }
0x33: {  	p0 =	seq.s32 s10, $0x1;
	s10 =	sld [smem:$0x3FB0];
	_ =	sdelay $0x3  }
0x34: {  	[smem:$0x3FB0] =	sst s10  }
0x35: {  	s10 =	sld [smem:$0x3FAF];
	_ =	sdelay $0x3  }
0x36: {  	p1 =	seq.s32 s10, $0x1;
	s10 =	sld [smem:$0x3FB0];
	_ =	sdelay $0x3  }
0x37: {  	[smem:$0x3FB0] =	sst s10  }
0x38: {  	s10 =	sld [smem:$0x3FB1]  }
0x39: {  	_ = 	snop;
	(pc) =	sbr.ind lr, $3  }
0x3a: {  	_ = 	snop  }
0x3b: {  	_ = 	snop  }
0x3c: {  	p2 =	seq.s32 s10, $0x1;
	s10 =	sld [smem:$0x3FB0]  }
0x3d: {  	_ =	shalt  }
0x3e: {  	_ =	shalt  }
0x3f: {  	_ =	shalt  }
0x40: {  	_ =	shalt  }
0x41: {  	_ =	shalt  }
0x42: {  	_ =	shalt  }
0x43: {  	_ =	shalt  }
0x44: {  	_ =	shalt  }
0x45: {  	_ =	shalt  }
0x46: {  	_ =	shalt  }
0x47: {  	_ =	shalt  }
0x48: {  	_ =	shalt  }
0x49: {  	_ =	shalt  }
0x4a: {  	_ =	shalt  }
0x4b: {  	_ =	shalt  }
0x4c: {  	_ =	shalt  }
0x4d: {  	_ =	shalt  }
0x4e: {  	_ =	shalt  }
0x4f: {  	_ =	shalt  }
0x50: {  	_ =	shalt  }
0x51: {  	_ =	shalt  }
0x52: {  	_ =	shalt  }
0x53: {  	_ =	shalt  }
0x54: {  	_ =	shalt  }
0x55: {  	_ =	shalt  }
0x56: {  	_ =	shalt  }
0x57: {  	_ =	shalt  }
0x58: {  	_ =	shalt  }
0x59: {  	_ =	shalt  }
0x5a: {  	_ =	shalt  }
0x5b: {  	_ =	shalt  }
0x5c: {  	_ =	shalt  }
0x5d: {  	_ =	shalt  }
0x5e: {  	_ =	shalt  }
0x5f: {  	_ =	shalt  }
0x60: {  	_ =	shalt  }
0x61: {  	_ =	shalt  }
0x62: {  	_ =	shalt  }
0x63: {  	_ =	shalt  }
0x64: {  	_ =	shalt  }
0x65: {  	_ =	shalt  }
0x66: {  	_ =	shalt  }
0x67: {  	_ =	shalt  }
0x68: {  	_ =	shalt  }
0x69: {  	_ =	shalt  }
0x6a: {  	_ =	shalt  }
0x6b: {  	_ =	shalt  }
0x6c: {  	_ =	shalt  }
0x6d: {  	_ =	shalt  }
0x6e: {  	_ =	shalt  }
0x6f: {  	_ =	shalt  }
0x70: {  	_ =	shalt  }
0x71: {  	_ =	shalt  }
0x72: {  	_ =	shalt  }
0x73: {  	_ =	shalt  }
0x74: {  	_ =	shalt  }
0x75: {  	_ =	shalt  }
0x76: {  	_ =	shalt  }
0x77: {  	_ =	shalt  }
0x78: {  	_ =	shalt  }
0x79: {  	_ =	shalt  }
0x7a: {  	_ =	shalt  }
0x7b: {  	_ =	shalt  }
0x7c: {  	_ =	shalt  }
0x7d: {  	_ =	shalt  }
0x7e: {  	_ =	shalt  }
0x7f: {  	_ =	shalt  }
0x80: {  	_ =	shalt  }
0x81: {  	_ =	shalt  }
0x82: {  	_ =	shalt  }
0x83: {  	_ =	shalt  }
0x84: {  	_ =	shalt  }
0x85: {  	_ =	shalt  }
0x86: {  	_ =	shalt  }
0x87: {  	_ =	shalt  }
.Lfunc_end0:
.L_simem_size_0:
called_computation_lowered:
.L_overlay_start_0:
0x88: {  	s2 =	sld [smem:$0x3FD9]  }
0x89: {  	s3 =	sld [smem:$0x3FFE];
	_ =	sdelay $0x1  }
0x8a: {  	s1 =	srdreg.scid  }
0x8b: {  	s0 =	sand.u32 $0x1, s1  }
0x8c: {  	s14 =	sshll.u32 s0, $0xA;
	s2 =	sadd.s32 s3, s2  }
0x8d: {  	s2 =	sadd.s32 s2, s14  }
0x8e: {  	[smem:$0x3FBC] =	sst s2  }
0x8f: {  	_ = 	snop  }
0x90: {  	s2 =	sld [smem:$0x3FD0];
	_ =	sdelay $0x2  }
0x91: {  	s15 =	simm.s32 $0xA;
	s4 =	simm.s32 $0x10  }
0x92: {  	[smem:s4], [sflag:s15] =	dma.local [hbm:s2], $0x1  }
0x93: {  	_ =	swait.eq [sflag:s15], $0x1  }
0x94: {  	[sflag:s15] =	ssyncset.done $0x0  }
0x95: {  	s16 =	sld [smem:$0x10];
	[sflag:s15] =	ssyncadd.s32 $0xFFFFFFFF  }
0x96: {  	s17 =	sld [smem:$0x11];
	(tm) =	ssettm $0x1  }
0x97: {  	s18 =	sld [smem:$0x3FFB];
	_ =	sdelay $0x3  }
0x98: {  	_ =	strace s18  }
0x99: {  	s4 =	sld [smem:$0x3FFC];
	_ =	sdelay $0x3  }
0x9a: {  	_ =	strace s4  }
0x9b: {  	s4 =	sld [smem:$0x3FFD];
	_ =	sdelay $0x3  }
0x9c: {  	_ =	strace s4  }
0x9d: {  	_ =	strace $0x8FFFFFFF  }
0x9e: {  	s19 =	sld [smem:$0x3FDB];
	_ =	sdelay $0x1  }
0x9f: {  	s5 =	simm.s32 $_scs_section_size  }
0xa0: {  	s6 =	simm.s32 $_size__tile_overlayer_lowered;
	s7 =	simm.s32 $_tile_overlayer_lowered  }
0xa1: {  	s22 =	simm.s32 $0x1BFF;
	s21 =	sshll.u32 s7, $0x1;
	s4 =	sadd.s32 s5, s19  }
0xa2: {  	s8 =	simm.s32 $0x0;
	s20 =	sshll.u32 s6, $0x1;
	s6 =	sadd.s32 s21, s4  }
0xa3: {  	[timem:s8], [sflag:s22] =	dma.local [hbm:s6], s20  }
0xa4: {  	_ =	swait.ge [sflag:s22], s20  }
0xa5: {  	s5 =	ssub.s32 $0x0, s20;
	[sflag:s22] =	ssyncset.done $0x0  }
0xa6: {  	[sflag:s22] =	ssyncadd.s32 s5;
	_ =	sdelay $0x1  }
0xa7: {  	s23 =	simm.s32 $0x1B8B  }
0xa8: {  	_ =	swait.ge [sflag:s23], $0x1  }
0xa9: {  	[sflag:s23] =	ssyncset.done $0x0  }
0xaa: {  	s25 =	simm.s32 $0x1B8E;
	s24 =	sld [smem:$0x3FFE];
	[sflag:s23] =	ssyncadd.s32 $0xFFFFFFFF  }
0xab: {  	s26 =	simm.s32 $execute0_lowered;
	[smem:$0x3FD2] =	sst s25  }
0xac: {  	s6 =	sshll.u32 s26, $0x1;
	_ =	strace $0x80000046;
	[dreg:$0x1] =	wrdreg $0xFFFFFFFF  }
0xad: {  	s28 =	simm.s32 $_size_execute0_lowered;
	s4 =	sadd.s32 s4, s6;
	[dreg:$0x0] =	wrdreg $0x0  }
0xae: {  	s6 =	sshll.u32 s28, $0x1;
	[dreg:$0x2] =	wrdreg s4  }
0xaf: {  	[dreg:$0x3] =	wrdreg s6  }
0xb0: {  	[dreg:$0x4] =	wrdreg $0xC0  }
0xb1: {  	_ =	task [dreg:s8], $0x5FFFF  }
0xb2: {  	[dreg:$0x1] =	wrdreg $0xFFFFFFFF  }
0xb3: {  	[dreg:$0x0] =	wrdreg $0x60  }
0xb4: {  	[dreg:$0x2] =	wrdreg s17  }
0xb5: {  	[dreg:$0x3] =	wrdreg s24  }
0xb6: {  	[dreg:$0x4] =	wrdreg s16  }
0xb7: {  	[dreg:$0x5] =	wrdreg $0x6C000  }
0xb8: {  	[dreg:$0x6] =	wrdreg $0x9  }
0xb9: {  	_ =	task.clear_ibuf [dreg:s8], $0x7FFFF;
	_ =	strace $0x90000046  }
0xba: {  	s29 =	simm.s32 $0x9;
	_ =	strace $0x80000048  }
0xbb: {  	_ =	swait.ge [sflag:s29], $0x1  }
0xbc: {  	[sflag:s29] =	ssyncadd.s32 $0xFFFFFFFF  }
0xbd: {  	_ =	strace $0x90000048  }
0xbe: {  	_ =	sfence  }
0xbf: {  	s30 =	sld [smem:$0x0];
	_ =	sdelay $0x2  }
0xc0: {  	s31 =	sshll.u32 s1, $0xD;
	s1 =	sshrl.u32 s1, $0x2  }
0xc1: {  	s3 =	sand.u32 $0x4000, s31;
	s1 =	sadd.s32 s1, s30  }
0xc2: {  	s0 =	sor.u32 s3, s0;
	s1 =	sshll.u32 s1, $0x11  }
0xc3: {  	s0 =	sor.u32 s1, s0  }
0xc4: {  	s0 =	sadd.s32 $0x8F2B, s0  }
0xc5: {  	[sflag:s0] =	ssyncadd.remote.s32 $0x1  }
0xc6: {  	_ =	sfence.sel $0xFFFF  }
0xc7: {  	[dreg:$0x0] =	wrdreg $0xFFFFFFFF;
	(pc) =	sbr.abs _section_cstart, $3  }
0xc8: {  	[dreg:$0x1] =	wrdreg $0xFFFFFFFF  }
0xc9: {  	_ =	task.clear_ibuf [dreg:s8], $0x2FFFF;
	_ =	strace $0x9FFFFFFF  }
0xca: {  	(tm) =	ssettm $0x7FFFFFFF  }
0xcb: {  	_ =	shalt  }
tec
execute0_lowered:
.L_overlay_start_1:
0x0: {  	(tag) =	ssettag $0x1  }
0x1: {  	s7 =	rddreg [dreg:$0x0]  }
0x2: {  	s5 =	rddreg [dreg:$0x1]  }
0x3: {  	s8 =	rddreg [dreg:$0x2]  }
0x4: {  	s2 =	rddreg [dreg:$0x3]  }
0x5: {  	s0 =	rddreg [dreg:$0x4];
	s3 =	simm.s32 $0x0  }
0x6: {  	s1 =	stileid.u32;
	s4 =	srdreg.scid;
	s14 =	simm.s32 $0x0  }
0x7: {  	[smem:$0x7FF] =	sst s3;
	s6 =	smul.u32 $0x2800, s1;
	s9 =	sand.u32 $0x1, s4  }
0x8: {  	s4 =	sadd.s32 $0x3C00, s5;
	s11 =	smul.u32 $0x50000, s1;
	s31 =	sshll.u32 s1, $0x6  }
0x9: {  	_ =	strace $0x80000047;
	s10 =	ssub.s32 $0x2, s9;
	s13 =	sshll.u32 s9, $0x4  }
0xa: {  	s9 =	smul.u32 $0x28000, s9;
	s5 =	sadd.s32 s6, s5;
	s12 =	sshrl.u32 s10, $0x1  }
0xb: {  	s11 =	sshrl.u32 s11, $0x2;
	s13 =	sor.u32 s1, s13;
	s10 =	ssub.s32 s10, s12  }
0xc: {  	s11 =	sadd.s32 s11, s2;
	s30 =	smul.u32 $0x580, s13;
	s5 =	sadd.s32 $0x4400, s5  }
0xd: {  	s9 =	sadd.s32 s6, s9;
	s6 =	sor.u32 $0x1C01, s31;
	s12 =	simm.s32 $0x2C00  }
0xe: {  	s13 =	simm.s32 $0x80;
	s8 =	sadd.s32 s8, s9;
	s9 =	smax.u32 s10, $0x1  }
0xf: {  	s10 =	sshrl.u32 s11, $0x3;
	s11 =	simm.s32 $0x1;
	s7 =	sadd.s32 s7, s30  }
.LBB2_1:
0x10: {  	[spmem:s10], [sflag:s6] =	dma.local [hbm:s5], $0x2800  }
0x11: {  	_ =	swait.ge [sflag:s11], $0x2800  }
0x12: {  	[sflag:s11] =	ssyncset.done $0x0  }
0x13: {  	[sflag:s11] =	ssyncadd.s32 $0xFFFFD800  }
0x14: {  	[tilespmem:s3], [sflag:$0x1] =	stream.linear.gather [hbm4b:s7+s3], $0x2900, $0x38;
	[tilespmem:$0x1AC00] =	vst v63  }
0x15: {  	_ =	swait.ge [sflag:s11], $0x2900  }
0x16: {  	[sflag:s11] =	ssyncset.done $0x0  }
0x17: {  	[sflag:s11] =	ssyncadd.s32 $0xFFFFD700  }
0x18: {  	[tilespmem:s12], [sflag:$0x1] =	stream.linear.gather [hbm4b:s4+s3], $0x4000, $0x38;
	[tilespmem:$0x1AC00] =	vst v63  }
0x19: {  	_ =	swait.ge [sflag:s11], $0x4000  }
0x1a: {  	[sflag:s11] =	ssyncset.done $0x0  }
0x1b: {  	[sflag:s11] =	ssyncadd.s32 $0xFFFFC000  }
0x1c: {  	s15 =	simm.s32 $0x0;
	[bflag:$0x0] =	sbarrier.arrive $0xFFFF  }
0x1d: {  	[spmem:s2] =	stream.indirect.scatter.add.f32 [tilespmem:s12], [sflag:$0x1], $0x80, s15, s13, $0xb8;
	[tilespmem:$0x1AC00] =	vst v63  }
0x1e: {  	_ =	swait.ge [sflag:s11], $0x4000  }
0x1f: {  	s15 =	simm.s32 $0x200;
	[sflag:s11] =	ssyncset.done $0x0  }
.LBB2_2:
0x20: {  	s16 =	sshra.s32 s15, $0x2;
	[sflag:s11] =	ssyncadd.s32 $0xFFFFC000;
	p0 =	sne.s32 s15, $0xA200  }
0x21: {  	[spmem:s2] =	stream.indirect.scatter.add.f32 [tilespmem:s12], [sflag:$0x1], $0x80, s16, s13, $0xb8;
	[tilespmem:$0x1AC00] =	vst v63  }
.Ltmp0:
0x22: {  	_ = 	snop;
	(pc) =	sbr.rel @p0 .LBB2_2-.Ltmp0, $4  }
0x23: {  	_ = 	snop  }
0x24: {  	s15 =	sadd.s32 $0x200, s15  }
0x25: {  	_ =	swait.ge [sflag:s11], $0x4000  }
0x26: {  	[sflag:s11] =	ssyncset.done $0x0  }
0x27: {  	s14 =	sadd.s32 $0x1, s14  }
0x28: {  	[sflag:s11] =	ssyncadd.s32 $0xFFFFC000;
	p0 =	sne.s32 s14, s9  }
.Ltmp1:
0x29: {  	[bflag:$0x0] =	sbarrier.arrive $0xFFFF;
	(pc) =	sbr.rel @p0 .LBB2_1-.Ltmp1, $4  }
0x2a: {  	[hbm:s8], [sflag:s6] =	dma.local [spmem:s10], $0x2800  }
0x2b: {  	_ =	swait.ge [sflag:s11], $0x2800  }
0x2c: {  	[sflag:s11] =	ssyncset.done $0x0  }
0x2d: {  	[sflag:s11] =	ssyncadd.s32 $0xFFFFD800  }
0x2e: {  	_ =	sfence.sel $0x180000  }
0x2f: {  	[bflag:$0x0] =	sbarrier.arrive $0xFFFF  }
0x30: {  	p0 =	sne.s32 s1, $0x0;
	_ =	strace $0x90000047  }
0x31: {  	s0 =	sadd.s32 @!p0 $0x100000, s0;
	[bflag:$0x2] =	sbarrier.arrive $0xFFFF  }
0x32: {  	[sflag:s0] =	ssyncadd.tile.s32 @!p0 $0x1;
	_ =	shalt  }
.Lfunc_end2:
_tile_overlayer_lowered:
.L_overlay_start_2:
0x33: {  	(tag) =	ssettag $0x2  }
0x34: {  	s0 =	rddreg [dreg:$0x0];
	s2 =	stileid.u32  }
0x35: {  	s1 =	rddreg [dreg:$0x1];
	p0 =	sne.s32 s2, $0x0  }
0x36: {  	s3 =	rddreg [dreg:$0x2];
	[bflag:$0x3] =	sbarrier.arrive $0xFFFF;
	s2 =	simm.s32 @!p0 $0x1C01  }
0x37: {  	[timem:s3], [sflag:s2] =	dma.local @!p0 [hbm:s0], s1  }
0x38: {  	s0 =	simm.s32 @!p0 $0x1  }
0x39: {  	_ =	swait.ge @!p0 [sflag:s0], s1  }
0x3a: {  	s1 =	ssub.s32 @!p0 $0x0, s1;
	[sflag:s0] =	ssyncset.done @!p0 $0x0  }
0x3b: {  	[sflag:s0] =	ssyncadd.s32 @!p0 s1  }
0x3c: {  	[bflag:$0x3] =	sbarrier.arrive $0xFFFF  }
0x3d: {  	_ =	shalt  }

// kernel: kernel.16.cloned.1.call-start
scs
__scs_entry_jumppad:
0x0: {  	(pc) =	sbr.rel $0x88, $3  }
0x1: {  	(tag) =	ssettag $0x0;
	lr =	simm.s32 $0x1  }
0x2: {  	[smem:$0x3F95] =	sst lr;
	_ =	strace $0xD0000000  }
0x3: {  	_ = 	snop  }
0x4: {  	_ = 	snop  }
0x5: {  	_ = 	snop  }
0x6: {  	_ = 	snop  }
0x7: {  	_ = 	snop  }
__scs_overlays_trampoline_lowered:
0x8: {  	[smem:$0x3FA4] =	sst s0  }
0x9: {  	[smem:$0x3FA5] =	sst s1  }
0xa: {  	[smem:$0x3FA6] =	sst s2  }
0xb: {  	[smem:$0x3FA7] =	sst s3  }
0xc: {  	[smem:$0x3FA8] =	sst s4  }
0xd: {  	[smem:$0x3FA9] =	sst s5  }
0xe: {  	[smem:$0x3FAA] =	sst s6  }
0xf: {  	[smem:$0x3FAB] =	sst s7  }
0x10: {  	[smem:$0x3FAC] =	sst s8  }
0x11: {  	[smem:$0x3FAD] =	sst s9;
	s0 =	simm.s32 @!p0 $0x0  }
0x12: {  	s1 =	sld [smem:$0x3F93];
	s0 =	simm.s32 @p0 $0x1  }
0x13: {  	[smem:$0x3FAE] =	sst s0;
	s0 =	simm.s32 @!p1 $0x0  }
0x14: {  	s2 =	sld [smem:$0x3F92];
	s0 =	simm.s32 @p1 $0x1  }
0x15: {  	[smem:$0x3FAF] =	sst s0;
	s0 =	simm.s32 @!p2 $0x0  }
0x16: {  	s3 =	sld [smem:$0x3FDB];
	s0 =	simm.s32 @p2 $0x1  }
0x17: {  	s4 =	simm.s32 $0x1BF5;
	[smem:$0x3FB1] =	sst s0  }
0x18: {  	s0 =	sld [smem:$0x3F94];
	_ =	swait.ge [sflag:s4], $0x0  }
0x19: {  	s7 =	sld [smem:$0x3F95]  }
0x1a: {  	s8 =	sadd.s32 $0xFFFFE003, lr  }
0x1b: {  	s9 =	sadd.s32 $0xFFFFFEF7, lr;
	s5 =	simm.s32 $0xFFFFFFFF;
	p2 =	slt.u32 s8, $0xFFFFF086  }
0x1c: {  	p1 =	slt.u32 s9, $0xF7A;
	s5 =	simm.s32 @!p2 $0x0  }
0x1d: {  	s5 =	simm.s32 @p1 $0x1;
	p0 =	seq.s32 s7, s2  }
0x1e: {  	s7 =	smul.u32 @!p0 $0xF7A, s2;
	p2 =	seq.s32 @!p0 s5, $0x0  }
0x1f: {  	s9 =	smul.u32 $0xF7A, s1;
	s8 =	simm.s32 @!p0 $0x1BF5;
	p2 =	por !p2, p0  }
0x20: {  	[sflag:s8] =	ssyncset.s32 @!p0 $0xFFFFF086;
	s6 =	sadd.s32 @!p0 s3, s7;
	s7 =	simm.s32 @!p0 $0x108  }
0x21: {  	s3 =	sadd.s32 s3, s9;
	s6 =	sadd.s32 @!p0 $0x88, s6;
	s7 =	simm.s32 @p2 $0x1082  }
0x22: {  	[simem:s7], [sflag:s8] =	dma.local @!p0 [hbm:s6], $0xF7A  }
0x23: {  	s9 =	sor.u32 $0xD0000000, s2;
	s6 =	simm.s32 $0x108;
	_ =	swait.ge @!p0 [sflag:s8], $0x0  }
0x24: {  	s3 =	sadd.s32 $0x88, s3;
	s6 =	simm.s32 @!p1 $0x1082;
	[sflag:s4] =	ssyncset.s32 $0xFFFFF086  }
0x25: {  	[simem:s6], [sflag:s4] =	dma.local [hbm:s3], $0xF7A  }
0x26: {  	[smem:$0x3F95] =	sst s1;
	(tag) =	ssettag s2;
	_ =	strace s9  }
0x27: {  	s1 =	sld [smem:$0x3FA5]  }
0x28: {  	s2 =	sld [smem:$0x3FA6]  }
0x29: {  	s4 =	sld [smem:$0x3FA8]  }
0x2a: {  	p0 =	seq.s32 s5, $0x0;
	s5 =	sld [smem:$0x3FA9]  }
0x2b: {  	s6 =	sld [smem:$0x3FAA]  }
0x2c: {  	s7 =	sld [smem:$0x3FAB]  }
0x2d: {  	s3 =	simm.s32 $0x108;
	s8 =	sld [smem:$0x3FAC]  }
0x2e: {  	s3 =	simm.s32 @!p0 $0x1082;
	s9 =	sld [smem:$0x3FAD]  }
0x2f: {  	lr =	sadd.s32 s0, s3;
	s0 =	sld [smem:$0x3FA4]  }
0x30: {  	s3 =	sld [smem:$0x3FA7]  }
0x31: {  	[smem:$0x3FB0] =	sst s10  }
0x32: {  	s10 =	sld [smem:$0x3FAE];
	_ =	sdelay $0x3  }
0x33: {  	p0 =	seq.s32 s10, $0x1;
	s10 =	sld [smem:$0x3FB0];
	_ =	sdelay $0x3  }
0x34: {  	[smem:$0x3FB0] =	sst s10  }
0x35: {  	s10 =	sld [smem:$0x3FAF];
	_ =	sdelay $0x3  }
0x36: {  	p1 =	seq.s32 s10, $0x1;
	s10 =	sld [smem:$0x3FB0];
	_ =	sdelay $0x3  }
0x37: {  	[smem:$0x3FB0] =	sst s10  }
0x38: {  	s10 =	sld [smem:$0x3FB1]  }
0x39: {  	_ = 	snop;
	(pc) =	sbr.ind lr, $3  }
0x3a: {  	_ = 	snop  }
0x3b: {  	_ = 	snop  }
0x3c: {  	p2 =	seq.s32 s10, $0x1;
	s10 =	sld [smem:$0x3FB0]  }
0x3d: {  	_ =	shalt  }
0x3e: {  	_ =	shalt  }
0x3f: {  	_ =	shalt  }
0x40: {  	_ =	shalt  }
0x41: {  	_ =	shalt  }
0x42: {  	_ =	shalt  }
0x43: {  	_ =	shalt  }
0x44: {  	_ =	shalt  }
0x45: {  	_ =	shalt  }
0x46: {  	_ =	shalt  }
0x47: {  	_ =	shalt  }
0x48: {  	_ =	shalt  }
0x49: {  	_ =	shalt  }
0x4a: {  	_ =	shalt  }
0x4b: {  	_ =	shalt  }
0x4c: {  	_ =	shalt  }
0x4d: {  	_ =	shalt  }
0x4e: {  	_ =	shalt  }
0x4f: {  	_ =	shalt  }
0x50: {  	_ =	shalt  }
0x51: {  	_ =	shalt  }
0x52: {  	_ =	shalt  }
0x53: {  	_ =	shalt  }
0x54: {  	_ =	shalt  }
0x55: {  	_ =	shalt  }
0x56: {  	_ =	shalt  }
0x57: {  	_ =	shalt  }
0x58: {  	_ =	shalt  }
0x59: {  	_ =	shalt  }
0x5a: {  	_ =	shalt  }
0x5b: {  	_ =	shalt  }
0x5c: {  	_ =	shalt  }
0x5d: {  	_ =	shalt  }
0x5e: {  	_ =	shalt  }
0x5f: {  	_ =	shalt  }
0x60: {  	_ =	shalt  }
0x61: {  	_ =	shalt  }
0x62: {  	_ =	shalt  }
0x63: {  	_ =	shalt  }
0x64: {  	_ =	shalt  }
0x65: {  	_ =	shalt  }
0x66: {  	_ =	shalt  }
0x67: {  	_ =	shalt  }
0x68: {  	_ =	shalt  }
0x69: {  	_ =	shalt  }
0x6a: {  	_ =	shalt  }
0x6b: {  	_ =	shalt  }
0x6c: {  	_ =	shalt  }
0x6d: {  	_ =	shalt  }
0x6e: {  	_ =	shalt  }
0x6f: {  	_ =	shalt  }
0x70: {  	_ =	shalt  }
0x71: {  	_ =	shalt  }
0x72: {  	_ =	shalt  }
0x73: {  	_ =	shalt  }
0x74: {  	_ =	shalt  }
0x75: {  	_ =	shalt  }
0x76: {  	_ =	shalt  }
0x77: {  	_ =	shalt  }
0x78: {  	_ =	shalt  }
0x79: {  	_ =	shalt  }
0x7a: {  	_ =	shalt  }
0x7b: {  	_ =	shalt  }
0x7c: {  	_ =	shalt  }
0x7d: {  	_ =	shalt  }
0x7e: {  	_ =	shalt  }
0x7f: {  	_ =	shalt  }
0x80: {  	_ =	shalt  }
0x81: {  	_ =	shalt  }
0x82: {  	_ =	shalt  }
0x83: {  	_ =	shalt  }
0x84: {  	_ =	shalt  }
0x85: {  	_ =	shalt  }
0x86: {  	_ =	shalt  }
0x87: {  	_ =	shalt  }
.Lfunc_end0:
.L_simem_size_0:
called_computation.1_lowered:
.L_overlay_start_0:
0x88: {  	s2 =	sld [smem:$0x3FD9]  }
0x89: {  	s3 =	sld [smem:$0x3FFE];
	_ =	sdelay $0x1  }
0x8a: {  	s1 =	srdreg.scid  }
0x8b: {  	s0 =	sand.u32 $0x1, s1  }
0x8c: {  	s14 =	sshll.u32 s0, $0xA;
	s2 =	sadd.s32 s3, s2  }
0x8d: {  	s2 =	sadd.s32 s2, s14  }
0x8e: {  	[smem:$0x3FBC] =	sst s2  }
0x8f: {  	_ = 	snop  }
0x90: {  	s2 =	sld [smem:$0x3FD0];
	_ =	sdelay $0x2  }
0x91: {  	s15 =	simm.s32 $0xA;
	s4 =	simm.s32 $0x10  }
0x92: {  	[smem:s4], [sflag:s15] =	dma.local [hbm:s2], $0x1  }
0x93: {  	_ =	swait.eq [sflag:s15], $0x1  }
0x94: {  	[sflag:s15] =	ssyncset.done $0x0  }
0x95: {  	s16 =	sld [smem:$0x10];
	[sflag:s15] =	ssyncadd.s32 $0xFFFFFFFF  }
0x96: {  	s17 =	sld [smem:$0x11];
	(tm) =	ssettm $0x1  }
0x97: {  	s18 =	sld [smem:$0x3FFB];
	_ =	sdelay $0x3  }
0x98: {  	_ =	strace s18  }
0x99: {  	s4 =	sld [smem:$0x3FFC];
	_ =	sdelay $0x3  }
0x9a: {  	_ =	strace s4  }
0x9b: {  	s4 =	sld [smem:$0x3FFD];
	_ =	sdelay $0x3  }
0x9c: {  	_ =	strace s4  }
0x9d: {  	_ =	strace $0x8FFFFFFF  }
0x9e: {  	s19 =	sld [smem:$0x3FDB];
	_ =	sdelay $0x1  }
0x9f: {  	s5 =	simm.s32 $_scs_section_size  }
0xa0: {  	s6 =	simm.s32 $_size__tile_overlayer_lowered;
	s7 =	simm.s32 $_tile_overlayer_lowered  }
0xa1: {  	s22 =	simm.s32 $0x1BFF;
	s21 =	sshll.u32 s7, $0x1;
	s4 =	sadd.s32 s5, s19  }
0xa2: {  	s8 =	simm.s32 $0x0;
	s20 =	sshll.u32 s6, $0x1;
	s6 =	sadd.s32 s21, s4  }
0xa3: {  	[timem:s8], [sflag:s22] =	dma.local [hbm:s6], s20  }
0xa4: {  	_ =	swait.ge [sflag:s22], s20  }
0xa5: {  	s5 =	ssub.s32 $0x0, s20;
	[sflag:s22] =	ssyncset.done $0x0  }
0xa6: {  	[sflag:s22] =	ssyncadd.s32 s5;
	_ =	sdelay $0x1  }
0xa7: {  	s23 =	simm.s32 $0x1B8B  }
0xa8: {  	_ =	swait.ge [sflag:s23], $0x1  }
0xa9: {  	[sflag:s23] =	ssyncset.done $0x0  }
0xaa: {  	s25 =	simm.s32 $0x1B8E;
	s24 =	sld [smem:$0x3FFE];
	[sflag:s23] =	ssyncadd.s32 $0xFFFFFFFF  }
0xab: {  	s26 =	simm.s32 $execute0_lowered;
	[smem:$0x3FD2] =	sst s25  }
0xac: {  	s6 =	sshll.u32 s26, $0x1;
	_ =	strace $0x80000049;
	[dreg:$0x1] =	wrdreg $0xFFFFFFFF  }
0xad: {  	s28 =	simm.s32 $_size_execute0_lowered;
	s4 =	sadd.s32 s4, s6;
	[dreg:$0x0] =	wrdreg $0x0  }
0xae: {  	s6 =	sshll.u32 s28, $0x1;
	[dreg:$0x2] =	wrdreg s4  }
0xaf: {  	[dreg:$0x3] =	wrdreg s6  }
0xb0: {  	[dreg:$0x4] =	wrdreg $0xC0  }
0xb1: {  	_ =	task [dreg:s8], $0x5FFFF  }
0xb2: {  	[dreg:$0x1] =	wrdreg $0xFFFFFFFF  }
0xb3: {  	[dreg:$0x0] =	wrdreg $0x60  }
0xb4: {  	[dreg:$0x2] =	wrdreg s24  }
0xb5: {  	[dreg:$0x3] =	wrdreg s17  }
0xb6: {  	[dreg:$0x4] =	wrdreg s16  }
0xb7: {  	[dreg:$0x5] =	wrdreg $0x98000  }
0xb8: {  	[dreg:$0x6] =	wrdreg $0x9  }
0xb9: {  	_ =	task.clear_ibuf [dreg:s8], $0x7FFFF;
	_ =	strace $0x90000049  }
0xba: {  	s29 =	simm.s32 $0x9;
	_ =	strace $0x8000004B  }
0xbb: {  	_ =	swait.ge [sflag:s29], $0x1  }
0xbc: {  	[sflag:s29] =	ssyncadd.s32 $0xFFFFFFFF  }
0xbd: {  	_ =	strace $0x9000004B  }
0xbe: {  	_ =	sfence  }
0xbf: {  	s30 =	sld [smem:$0x0];
	_ =	sdelay $0x2  }
0xc0: {  	s31 =	sshll.u32 s1, $0xD;
	s1 =	sshrl.u32 s1, $0x2  }
0xc1: {  	s3 =	sand.u32 $0x4000, s31;
	s1 =	sadd.s32 s1, s30  }
0xc2: {  	s0 =	sor.u32 s3, s0;
	s1 =	sshll.u32 s1, $0x11  }
0xc3: {  	s0 =	sor.u32 s1, s0  }
0xc4: {  	s0 =	sadd.s32 $0x8F2B, s0  }
0xc5: {  	[sflag:s0] =	ssyncadd.remote.s32 $0x1  }
0xc6: {  	_ =	sfence.sel $0xFFFF  }
0xc7: {  	[dreg:$0x0] =	wrdreg $0xFFFFFFFF;
	(pc) =	sbr.abs _section_cstart, $3  }
0xc8: {  	[dreg:$0x1] =	wrdreg $0xFFFFFFFF  }
0xc9: {  	_ =	task.clear_ibuf [dreg:s8], $0x2FFFF;
	_ =	strace $0x9FFFFFFF  }
0xca: {  	(tm) =	ssettm $0x7FFFFFFF  }
0xcb: {  	_ =	shalt  }
tec
execute0_lowered:
.L_overlay_start_1:
0x0: {  	(tag) =	ssettag $0x1  }
0x1: {  	s5 =	rddreg [dreg:$0x0]  }
0x2: {  	s8 =	rddreg [dreg:$0x1]  }
0x3: {  	s0 =	srdreg.scid;
	s9 =	rddreg [dreg:$0x2]  }
0x4: {  	s2 =	rddreg [dreg:$0x3];
	s1 =	stileid.u32;
	s3 =	simm.s32 $0x0  }
0x5: {  	s6 =	sand.u32 $0x1, s0;
	s0 =	rddreg [dreg:$0x4];
	s11 =	smul.u32 $0x2800, s1  }
0x6: {  	s17 =	simm.s32 $0x0;
	[smem:$0x7FF] =	sst s3;
	s13 =	smul.u32 $0x50000, s1  }
0x7: {  	s30 =	sshll.u32 s1, $0x6;
	s4 =	sshll.u32 s6, $0x4;
	_ =	strace $0x8000004A  }
0x8: {  	s7 =	ssub.s32 $0x2, s6;
	s15 =	smul.u32 $0x28000, s6;
	s6 =	sor.u32 $0x1C02, s30  }
0x9: {  	s4 =	sor.u32 s1, s4;
	s12 =	sshrl.u32 s7, $0x1;
	s29 =	sshrl.u32 s13, $0x2  }
0xa: {  	s13 =	simm.s32 $0x2C00;
	s10 =	smul.u32 $0x580, s4;
	s4 =	sadd.s32 $0x37400, s5  }
0xb: {  	s12 =	ssub.s32 s7, s12;
	s16 =	sadd.s32 s29, s2;
	s31 =	sadd.s32 s11, s15  }
0xc: {  	s15 =	simm.s32 $0x5800;
	s9 =	sadd.s32 s9, s31;
	s14 =	sadd.s32 s10, s5  }
0xd: {  	s5 =	sadd.s32 s11, s5;
	s8 =	sadd.s32 s8, s10;
	s10 =	smax.u32 s12, $0x1  }
0xe: {  	s11 =	sshrl.u32 s16, $0x3;
	s12 =	simm.s32 $0x2;
	s16 =	simm.s32 $0x1  }
0xf: {  	s5 =	sadd.s32 $0x4400, s5;
	s7 =	sadd.s32 $0x2C400, s14;
	s14 =	simm.s32 $0x80  }
.LBB2_1:
0x10: {  	[spmem:s11], [sflag:s6] =	dma.local [hbm:s5], $0x2800  }
0x11: {  	_ =	swait.ge [sflag:s12], $0x2800  }
0x12: {  	[sflag:s12] =	ssyncset.done $0x0  }
0x13: {  	[sflag:s12] =	ssyncadd.s32 $0xFFFFD800  }
0x14: {  	[tilespmem:s3], [sflag:$0x2] =	stream.linear.gather [hbm4b:s7+s3], $0x2900, $0x38;
	[tilespmem:$0x1D800] =	vst v63  }
0x15: {  	_ =	swait.ge [sflag:s12], $0x2900  }
0x16: {  	[sflag:s12] =	ssyncset.done $0x0  }
0x17: {  	[sflag:s12] =	ssyncadd.s32 $0xFFFFD700  }
0x18: {  	[tilespmem:s13], [sflag:$0x2] =	stream.linear.gather [hbm4b:s8+s3], $0x2900, $0x38;
	[tilespmem:$0x1D800] =	vst v63  }
0x19: {  	_ =	swait.ge [sflag:s12], $0x2900  }
0x1a: {  	[sflag:s12] =	ssyncset.done $0x0  }
0x1b: {  	[sflag:s12] =	ssyncadd.s32 $0xFFFFD700  }
0x1c: {  	s18 =	simm.s32 $0x0;
	[bflag:$0x0] =	sbarrier.arrive $0xFFFF  }
0x1d: {  	[tilespmem:s15], [sflag:$0x1] =	stream.indirect.gather [hbm4b:s4+s14], $0x80, s18, s14, $0xb8;
	[tilespmem:$0x1D800] =	vst v63  }
0x1e: {  	_ =	swait.ge [sflag:s16], $0x4000  }
0x1f: {  	[sflag:s16] =	ssyncset.done $0x0  }
0x20: {  	s31 =	simm.s32 $0x2C00;
	[sflag:s16] =	ssyncadd.s32 $0xFFFFC000  }
0x21: {  	[spmem:s2] =	stream.indirect.scatter.add.f32 [tilespmem:s15], [sflag:$0x2], $0x80, s31, s14, $0xb8;
	[tilespmem:$0x1D800] =	vst v63  }
0x22: {  	_ =	swait.ge [sflag:s12], $0x4000  }
0x23: {  	s19 =	simm.s32 $0x400;
	s18 =	simm.s32 $0x200;
	[sflag:s12] =	ssyncset.done $0x0  }
.LBB2_2:
0x24: {  	s20 =	sshra.s32 s18, $0x2  }
0x25: {  	[sflag:s12] =	ssyncadd.s32 $0xFFFFC000;
	s18 =	smov.u32 s19;
	s21 =	sadd.s32 $0x200, s19  }
0x26: {  	[tilespmem:s15], [sflag:$0x1] =	stream.indirect.gather [hbm4b:s4+s14], $0x80, s20, s14, $0xb8;
	[tilespmem:$0x1D800] =	vst v63  }
0x27: {  	p0 =	sne.s32 s19, $0xA200;
	_ =	swait.ge [sflag:s16], $0x4000  }
.Ltmp0:
0x28: {  	[sflag:s16] =	ssyncset.done $0x0;
	(pc) =	sbr.rel @p0 .LBB2_2-.Ltmp0, $4  }
0x29: {  	s19 =	sadd.s32 $0x2C00, s20;
	[sflag:s16] =	ssyncadd.s32 $0xFFFFC000  }
0x2a: {  	[spmem:s2] =	stream.indirect.scatter.add.f32 [tilespmem:s15], [sflag:$0x2], $0x80, s19, s14, $0xb8;
	[tilespmem:$0x1D800] =	vst v63  }
0x2b: {  	_ =	swait.ge [sflag:s12], $0x4000  }
0x2c: {  	s19 =	smov.u32 s21;
	[sflag:s12] =	ssyncset.done $0x0  }
0x2d: {  	s18 =	sshra.s32 s18, $0x2;
	[sflag:s12] =	ssyncadd.s32 $0xFFFFC000  }
0x2e: {  	[tilespmem:s15], [sflag:$0x1] =	stream.indirect.gather [hbm4b:s4+s14], $0x80, s18, s14, $0xb8;
	[tilespmem:$0x1D800] =	vst v63  }
0x2f: {  	_ =	swait.ge [sflag:s16], $0x4000  }
0x30: {  	[sflag:s16] =	ssyncset.done $0x0  }
0x31: {  	s18 =	sadd.s32 $0x2C00, s18;
	[sflag:s16] =	ssyncadd.s32 $0xFFFFC000  }
0x32: {  	[spmem:s2] =	stream.indirect.scatter.add.f32 [tilespmem:s15], [sflag:$0x2], $0x80, s18, s14, $0xb8;
	[tilespmem:$0x1D800] =	vst v63  }
0x33: {  	_ =	swait.ge [sflag:s12], $0x4000  }
0x34: {  	s17 =	sadd.s32 $0x1, s17;
	[sflag:s12] =	ssyncset.done $0x0  }
0x35: {  	p0 =	sne.s32 s17, s10;
	[sflag:s12] =	ssyncadd.s32 $0xFFFFC000  }
.Ltmp1:
0x36: {  	[bflag:$0x0] =	sbarrier.arrive $0xFFFF;
	(pc) =	sbr.rel @p0 .LBB2_1-.Ltmp1, $4  }
0x37: {  	[hbm:s9], [sflag:s6] =	dma.local [spmem:s11], $0x2800  }
0x38: {  	_ =	swait.ge [sflag:s12], $0x2800  }
0x39: {  	[sflag:s12] =	ssyncset.done $0x0  }
0x3a: {  	[sflag:s12] =	ssyncadd.s32 $0xFFFFD800  }
0x3b: {  	_ =	sfence.sel $0x180000  }
0x3c: {  	[bflag:$0x0] =	sbarrier.arrive $0xFFFF  }
0x3d: {  	p0 =	sne.s32 s1, $0x0;
	_ =	strace $0x9000004A  }
0x3e: {  	s0 =	sadd.s32 @!p0 $0x100000, s0;
	[bflag:$0x2] =	sbarrier.arrive $0xFFFF  }
0x3f: {  	[sflag:s0] =	ssyncadd.tile.s32 @!p0 $0x1;
	_ =	shalt  }
.Lfunc_end2:
_tile_overlayer_lowered:
.L_overlay_start_2:
0x40: {  	(tag) =	ssettag $0x2  }
0x41: {  	s0 =	rddreg [dreg:$0x0];
	s2 =	stileid.u32  }
0x42: {  	s1 =	rddreg [dreg:$0x1];
	p0 =	sne.s32 s2, $0x0  }
0x43: {  	s3 =	rddreg [dreg:$0x2];
	[bflag:$0x3] =	sbarrier.arrive $0xFFFF;
	s2 =	simm.s32 @!p0 $0x1C02  }
0x44: {  	[timem:s3], [sflag:s2] =	dma.local @!p0 [hbm:s0], s1  }
0x45: {  	s0 =	simm.s32 @!p0 $0x2  }
0x46: {  	_ =	swait.ge @!p0 [sflag:s0], s1  }
0x47: {  	s1 =	ssub.s32 @!p0 $0x0, s1;
	[sflag:s0] =	ssyncset.done @!p0 $0x0  }
0x48: {  	[sflag:s0] =	ssyncadd.s32 @!p0 s1  }
0x49: {  	[bflag:$0x3] =	sbarrier.arrive $0xFFFF  }
0x4a: {  	_ =	shalt  }

// kernel: kernel.19.cloned.1.call-start
scs
__scs_entry_jumppad:
0x0: {  	(pc) =	sbr.rel $0x88, $3  }
0x1: {  	(tag) =	ssettag $0x0;
	lr =	simm.s32 $0x1  }
0x2: {  	[smem:$0x3F95] =	sst lr;
	_ =	strace $0xD0000000  }
0x3: {  	_ = 	snop  }
0x4: {  	_ = 	snop  }
0x5: {  	_ = 	snop  }
0x6: {  	_ = 	snop  }
0x7: {  	_ = 	snop  }
__scs_overlays_trampoline_lowered:
0x8: {  	[smem:$0x3FA4] =	sst s0  }
0x9: {  	[smem:$0x3FA5] =	sst s1  }
0xa: {  	[smem:$0x3FA6] =	sst s2  }
0xb: {  	[smem:$0x3FA7] =	sst s3  }
0xc: {  	[smem:$0x3FA8] =	sst s4  }
0xd: {  	[smem:$0x3FA9] =	sst s5  }
0xe: {  	[smem:$0x3FAA] =	sst s6  }
0xf: {  	[smem:$0x3FAB] =	sst s7  }
0x10: {  	[smem:$0x3FAC] =	sst s8  }
0x11: {  	[smem:$0x3FAD] =	sst s9;
	s0 =	simm.s32 @!p0 $0x0  }
0x12: {  	s1 =	sld [smem:$0x3F93];
	s0 =	simm.s32 @p0 $0x1  }
0x13: {  	[smem:$0x3FAE] =	sst s0;
	s0 =	simm.s32 @!p1 $0x0  }
0x14: {  	s2 =	sld [smem:$0x3F92];
	s0 =	simm.s32 @p1 $0x1  }
0x15: {  	[smem:$0x3FAF] =	sst s0;
	s0 =	simm.s32 @!p2 $0x0  }
0x16: {  	s3 =	sld [smem:$0x3FDB];
	s0 =	simm.s32 @p2 $0x1  }
0x17: {  	s4 =	simm.s32 $0x1BF5;
	[smem:$0x3FB1] =	sst s0  }
0x18: {  	s0 =	sld [smem:$0x3F94];
	_ =	swait.ge [sflag:s4], $0x0  }
0x19: {  	s7 =	sld [smem:$0x3F95]  }
0x1a: {  	s8 =	sadd.s32 $0xFFFFE003, lr  }
0x1b: {  	s9 =	sadd.s32 $0xFFFFFEF7, lr;
	s5 =	simm.s32 $0xFFFFFFFF;
	p2 =	slt.u32 s8, $0xFFFFF086  }
0x1c: {  	p1 =	slt.u32 s9, $0xF7A;
	s5 =	simm.s32 @!p2 $0x0  }
0x1d: {  	s5 =	simm.s32 @p1 $0x1;
	p0 =	seq.s32 s7, s2  }
0x1e: {  	s7 =	smul.u32 @!p0 $0xF7A, s2;
	p2 =	seq.s32 @!p0 s5, $0x0  }
0x1f: {  	s9 =	smul.u32 $0xF7A, s1;
	s8 =	simm.s32 @!p0 $0x1BF5;
	p2 =	por !p2, p0  }
0x20: {  	[sflag:s8] =	ssyncset.s32 @!p0 $0xFFFFF086;
	s6 =	sadd.s32 @!p0 s3, s7;
	s7 =	simm.s32 @!p0 $0x108  }
0x21: {  	s3 =	sadd.s32 s3, s9;
	s6 =	sadd.s32 @!p0 $0x88, s6;
	s7 =	simm.s32 @p2 $0x1082  }
0x22: {  	[simem:s7], [sflag:s8] =	dma.local @!p0 [hbm:s6], $0xF7A  }
0x23: {  	s9 =	sor.u32 $0xD0000000, s2;
	s6 =	simm.s32 $0x108;
	_ =	swait.ge @!p0 [sflag:s8], $0x0  }
0x24: {  	s3 =	sadd.s32 $0x88, s3;
	s6 =	simm.s32 @!p1 $0x1082;
	[sflag:s4] =	ssyncset.s32 $0xFFFFF086  }
0x25: {  	[simem:s6], [sflag:s4] =	dma.local [hbm:s3], $0xF7A  }
0x26: {  	[smem:$0x3F95] =	sst s1;
	(tag) =	ssettag s2;
	_ =	strace s9  }
0x27: {  	s1 =	sld [smem:$0x3FA5]  }
0x28: {  	s2 =	sld [smem:$0x3FA6]  }
0x29: {  	s4 =	sld [smem:$0x3FA8]  }
0x2a: {  	p0 =	seq.s32 s5, $0x0;
	s5 =	sld [smem:$0x3FA9]  }
0x2b: {  	s6 =	sld [smem:$0x3FAA]  }
0x2c: {  	s7 =	sld [smem:$0x3FAB]  }
0x2d: {  	s3 =	simm.s32 $0x108;
	s8 =	sld [smem:$0x3FAC]  }
0x2e: {  	s3 =	simm.s32 @!p0 $0x1082;
	s9 =	sld [smem:$0x3FAD]  }
0x2f: {  	lr =	sadd.s32 s0, s3;
	s0 =	sld [smem:$0x3FA4]  }
0x30: {  	s3 =	sld [smem:$0x3FA7]  }
0x31: {  	[smem:$0x3FB0] =	sst s10  }
0x32: {  	s10 =	sld [smem:$0x3FAE];
	_ =	sdelay $0x3  }
0x33: {  	p0 =	seq.s32 s10, $0x1;
	s10 =	sld [smem:$0x3FB0];
	_ =	sdelay $0x3  }
0x34: {  	[smem:$0x3FB0] =	sst s10  }
0x35: {  	s10 =	sld [smem:$0x3FAF];
	_ =	sdelay $0x3  }
0x36: {  	p1 =	seq.s32 s10, $0x1;
	s10 =	sld [smem:$0x3FB0];
	_ =	sdelay $0x3  }
0x37: {  	[smem:$0x3FB0] =	sst s10  }
0x38: {  	s10 =	sld [smem:$0x3FB1]  }
0x39: {  	_ = 	snop;
	(pc) =	sbr.ind lr, $3  }
0x3a: {  	_ = 	snop  }
0x3b: {  	_ = 	snop  }
0x3c: {  	p2 =	seq.s32 s10, $0x1;
	s10 =	sld [smem:$0x3FB0]  }
0x3d: {  	_ =	shalt  }
0x3e: {  	_ =	shalt  }
0x3f: {  	_ =	shalt  }
0x40: {  	_ =	shalt  }
0x41: {  	_ =	shalt  }
0x42: {  	_ =	shalt  }
0x43: {  	_ =	shalt  }
0x44: {  	_ =	shalt  }
0x45: {  	_ =	shalt  }
0x46: {  	_ =	shalt  }
0x47: {  	_ =	shalt  }
0x48: {  	_ =	shalt  }
0x49: {  	_ =	shalt  }
0x4a: {  	_ =	shalt  }
0x4b: {  	_ =	shalt  }
0x4c: {  	_ =	shalt  }
0x4d: {  	_ =	shalt  }
0x4e: {  	_ =	shalt  }
0x4f: {  	_ =	shalt  }
0x50: {  	_ =	shalt  }
0x51: {  	_ =	shalt  }
0x52: {  	_ =	shalt  }
0x53: {  	_ =	shalt  }
0x54: {  	_ =	shalt  }
0x55: {  	_ =	shalt  }
0x56: {  	_ =	shalt  }
0x57: {  	_ =	shalt  }
0x58: {  	_ =	shalt  }
0x59: {  	_ =	shalt  }
0x5a: {  	_ =	shalt  }
0x5b: {  	_ =	shalt  }
0x5c: {  	_ =	shalt  }
0x5d: {  	_ =	shalt  }
0x5e: {  	_ =	shalt  }
0x5f: {  	_ =	shalt  }
0x60: {  	_ =	shalt  }
0x61: {  	_ =	shalt  }
0x62: {  	_ =	shalt  }
0x63: {  	_ =	shalt  }
0x64: {  	_ =	shalt  }
0x65: {  	_ =	shalt  }
0x66: {  	_ =	shalt  }
0x67: {  	_ =	shalt  }
0x68: {  	_ =	shalt  }
0x69: {  	_ =	shalt  }
0x6a: {  	_ =	shalt  }
0x6b: {  	_ =	shalt  }
0x6c: {  	_ =	shalt  }
0x6d: {  	_ =	shalt  }
0x6e: {  	_ =	shalt  }
0x6f: {  	_ =	shalt  }
0x70: {  	_ =	shalt  }
0x71: {  	_ =	shalt  }
0x72: {  	_ =	shalt  }
0x73: {  	_ =	shalt  }
0x74: {  	_ =	shalt  }
0x75: {  	_ =	shalt  }
0x76: {  	_ =	shalt  }
0x77: {  	_ =	shalt  }
0x78: {  	_ =	shalt  }
0x79: {  	_ =	shalt  }
0x7a: {  	_ =	shalt  }
0x7b: {  	_ =	shalt  }
0x7c: {  	_ =	shalt  }
0x7d: {  	_ =	shalt  }
0x7e: {  	_ =	shalt  }
0x7f: {  	_ =	shalt  }
0x80: {  	_ =	shalt  }
0x81: {  	_ =	shalt  }
0x82: {  	_ =	shalt  }
0x83: {  	_ =	shalt  }
0x84: {  	_ =	shalt  }
0x85: {  	_ =	shalt  }
0x86: {  	_ =	shalt  }
0x87: {  	_ =	shalt  }
.Lfunc_end0:
.L_simem_size_0:
called_computation.2_lowered:
.L_overlay_start_0:
0x88: {  	s2 =	sld [smem:$0x3FD9]  }
0x89: {  	s3 =	sld [smem:$0x3FFE];
	_ =	sdelay $0x1  }
0x8a: {  	s1 =	srdreg.scid  }
0x8b: {  	s0 =	sand.u32 $0x1, s1  }
0x8c: {  	s14 =	sshll.u32 s0, $0xA;
	s2 =	sadd.s32 s3, s2  }
0x8d: {  	s2 =	sadd.s32 s2, s14  }
0x8e: {  	[smem:$0x3FBC] =	sst s2  }
0x8f: {  	_ = 	snop  }
0x90: {  	s2 =	sld [smem:$0x3FD0];
	_ =	sdelay $0x2  }
0x91: {  	s15 =	simm.s32 $0xA;
	s4 =	simm.s32 $0x10  }
0x92: {  	[smem:s4], [sflag:s15] =	dma.local [hbm:s2], $0x1  }
0x93: {  	_ =	swait.eq [sflag:s15], $0x1  }
0x94: {  	[sflag:s15] =	ssyncset.done $0x0  }
0x95: {  	s16 =	sld [smem:$0x10];
	[sflag:s15] =	ssyncadd.s32 $0xFFFFFFFF  }
0x96: {  	s17 =	sld [smem:$0x11];
	(tm) =	ssettm $0x1  }
0x97: {  	s18 =	sld [smem:$0x3FFB];
	_ =	sdelay $0x3  }
0x98: {  	_ =	strace s18  }
0x99: {  	s4 =	sld [smem:$0x3FFC];
	_ =	sdelay $0x3  }
0x9a: {  	_ =	strace s4  }
0x9b: {  	s4 =	sld [smem:$0x3FFD];
	_ =	sdelay $0x3  }
0x9c: {  	_ =	strace s4  }
0x9d: {  	_ =	strace $0x8FFFFFFF  }
0x9e: {  	s19 =	sld [smem:$0x3FDB];
	_ =	sdelay $0x1  }
0x9f: {  	s5 =	simm.s32 $_scs_section_size  }
0xa0: {  	s6 =	simm.s32 $_size__tile_overlayer_lowered;
	s7 =	simm.s32 $_tile_overlayer_lowered  }
0xa1: {  	s22 =	simm.s32 $0x1BFF;
	s21 =	sshll.u32 s7, $0x1;
	s4 =	sadd.s32 s5, s19  }
0xa2: {  	s8 =	simm.s32 $0x0;
	s20 =	sshll.u32 s6, $0x1;
	s6 =	sadd.s32 s21, s4  }
0xa3: {  	[timem:s8], [sflag:s22] =	dma.local [hbm:s6], s20  }
0xa4: {  	_ =	swait.ge [sflag:s22], s20  }
0xa5: {  	s5 =	ssub.s32 $0x0, s20;
	[sflag:s22] =	ssyncset.done $0x0  }
0xa6: {  	[sflag:s22] =	ssyncadd.s32 s5;
	_ =	sdelay $0x1  }
0xa7: {  	s23 =	simm.s32 $0x1B8B  }
0xa8: {  	_ =	swait.ge [sflag:s23], $0x1  }
0xa9: {  	[sflag:s23] =	ssyncset.done $0x0  }
0xaa: {  	s25 =	simm.s32 $0x1B8E;
	s24 =	sld [smem:$0x3FFE];
	[sflag:s23] =	ssyncadd.s32 $0xFFFFFFFF  }
0xab: {  	s26 =	simm.s32 $execute0_lowered;
	[smem:$0x3FD2] =	sst s25  }
0xac: {  	s6 =	sshll.u32 s26, $0x1;
	_ =	strace $0x8000004C;
	[dreg:$0x1] =	wrdreg $0xFFFFFFFF  }
0xad: {  	s28 =	simm.s32 $_size_execute0_lowered;
	s4 =	sadd.s32 s4, s6;
	[dreg:$0x0] =	wrdreg $0x0  }
0xae: {  	s6 =	sshll.u32 s28, $0x1;
	[dreg:$0x2] =	wrdreg s4  }
0xaf: {  	[dreg:$0x3] =	wrdreg s6  }
0xb0: {  	[dreg:$0x4] =	wrdreg $0xC0  }
0xb1: {  	_ =	task [dreg:s8], $0x5FFFF  }
0xb2: {  	[dreg:$0x1] =	wrdreg $0xFFFFFFFF  }
0xb3: {  	[dreg:$0x0] =	wrdreg $0x60  }
0xb4: {  	[dreg:$0x2] =	wrdreg s24  }
0xb5: {  	[dreg:$0x3] =	wrdreg s17  }
0xb6: {  	[dreg:$0x4] =	wrdreg s16  }
0xb7: {  	[dreg:$0x5] =	wrdreg $0x98000  }
0xb8: {  	[dreg:$0x6] =	wrdreg $0x9  }
0xb9: {  	_ =	task.clear_ibuf [dreg:s8], $0x7FFFF;
	_ =	strace $0x9000004C  }
0xba: {  	s29 =	simm.s32 $0x9;
	_ =	strace $0x8000004E  }
0xbb: {  	_ =	swait.ge [sflag:s29], $0x1  }
0xbc: {  	[sflag:s29] =	ssyncadd.s32 $0xFFFFFFFF  }
0xbd: {  	_ =	strace $0x9000004E  }
0xbe: {  	_ =	sfence  }
0xbf: {  	s30 =	sld [smem:$0x0];
	_ =	sdelay $0x2  }
0xc0: {  	s31 =	sshll.u32 s1, $0xD;
	s1 =	sshrl.u32 s1, $0x2  }
0xc1: {  	s3 =	sand.u32 $0x4000, s31;
	s1 =	sadd.s32 s1, s30  }
0xc2: {  	s0 =	sor.u32 s3, s0;
	s1 =	sshll.u32 s1, $0x11  }
0xc3: {  	s0 =	sor.u32 s1, s0  }
0xc4: {  	s0 =	sadd.s32 $0x8F2B, s0  }
0xc5: {  	[sflag:s0] =	ssyncadd.remote.s32 $0x1  }
0xc6: {  	_ =	sfence.sel $0xFFFF  }
0xc7: {  	[dreg:$0x0] =	wrdreg $0xFFFFFFFF;
	(pc) =	sbr.abs _section_cstart, $3  }
0xc8: {  	[dreg:$0x1] =	wrdreg $0xFFFFFFFF  }
0xc9: {  	_ =	task.clear_ibuf [dreg:s8], $0x2FFFF;
	_ =	strace $0x9FFFFFFF  }
0xca: {  	(tm) =	ssettm $0x7FFFFFFF  }
0xcb: {  	_ =	shalt  }
tec
execute0_lowered:
.L_overlay_start_1:
0x0: {  	(tag) =	ssettag $0x1  }
0x1: {  	s5 =	rddreg [dreg:$0x0]  }
0x2: {  	s8 =	rddreg [dreg:$0x1]  }
0x3: {  	s0 =	srdreg.scid;
	s9 =	rddreg [dreg:$0x2]  }
0x4: {  	s2 =	rddreg [dreg:$0x3];
	s1 =	stileid.u32;
	s3 =	simm.s32 $0x0  }
0x5: {  	s6 =	sand.u32 $0x1, s0;
	s0 =	rddreg [dreg:$0x4];
	s11 =	smul.u32 $0x2800, s1  }
0x6: {  	s17 =	simm.s32 $0x0;
	[smem:$0x7FF] =	sst s3;
	s13 =	smul.u32 $0x50000, s1  }
0x7: {  	s30 =	sshll.u32 s1, $0x6;
	s4 =	sshll.u32 s6, $0x4;
	_ =	strace $0x8000004D  }
0x8: {  	s7 =	ssub.s32 $0x2, s6;
	s15 =	smul.u32 $0x28000, s6;
	s6 =	sor.u32 $0x1C02, s30  }
0x9: {  	s4 =	sor.u32 s1, s4;
	s12 =	sshrl.u32 s7, $0x1;
	s29 =	sshrl.u32 s13, $0x2  }
0xa: {  	s13 =	simm.s32 $0x2C00;
	s10 =	smul.u32 $0x580, s4;
	s4 =	sadd.s32 $0x37400, s5  }
0xb: {  	s12 =	ssub.s32 s7, s12;
	s16 =	sadd.s32 s29, s2;
	s31 =	sadd.s32 s11, s15  }
0xc: {  	s15 =	simm.s32 $0x5800;
	s9 =	sadd.s32 s9, s31;
	s14 =	sadd.s32 s10, s5  }
0xd: {  	s5 =	sadd.s32 s11, s5;
	s8 =	sadd.s32 s8, s10;
	s10 =	smax.u32 s12, $0x1  }
0xe: {  	s11 =	sshrl.u32 s16, $0x3;
	s12 =	simm.s32 $0x2;
	s16 =	simm.s32 $0x1  }
0xf: {  	s5 =	sadd.s32 $0x4400, s5;
	s7 =	sadd.s32 $0x2C400, s14;
	s14 =	simm.s32 $0x80  }
.LBB2_1:
0x10: {  	[spmem:s11], [sflag:s6] =	dma.local [hbm:s5], $0x2800  }
0x11: {  	_ =	swait.ge [sflag:s12], $0x2800  }
0x12: {  	[sflag:s12] =	ssyncset.done $0x0  }
0x13: {  	[sflag:s12] =	ssyncadd.s32 $0xFFFFD800  }
0x14: {  	[tilespmem:s3], [sflag:$0x2] =	stream.linear.gather [hbm4b:s7+s3], $0x2900, $0x38;
	[tilespmem:$0x1D800] =	vst v63  }
0x15: {  	_ =	swait.ge [sflag:s12], $0x2900  }
0x16: {  	[sflag:s12] =	ssyncset.done $0x0  }
0x17: {  	[sflag:s12] =	ssyncadd.s32 $0xFFFFD700  }
0x18: {  	[tilespmem:s13], [sflag:$0x2] =	stream.linear.gather [hbm4b:s8+s3], $0x2900, $0x38;
	[tilespmem:$0x1D800] =	vst v63  }
0x19: {  	_ =	swait.ge [sflag:s12], $0x2900  }
0x1a: {  	[sflag:s12] =	ssyncset.done $0x0  }
0x1b: {  	[sflag:s12] =	ssyncadd.s32 $0xFFFFD700  }
0x1c: {  	s18 =	simm.s32 $0x0;
	[bflag:$0x0] =	sbarrier.arrive $0xFFFF  }
0x1d: {  	[tilespmem:s15], [sflag:$0x1] =	stream.indirect.gather [hbm4b:s4+s14], $0x80, s18, s14, $0xb8;
	[tilespmem:$0x1D800] =	vst v63  }
0x1e: {  	_ =	swait.ge [sflag:s16], $0x4000  }
0x1f: {  	[sflag:s16] =	ssyncset.done $0x0  }
0x20: {  	s31 =	simm.s32 $0x2C00;
	[sflag:s16] =	ssyncadd.s32 $0xFFFFC000  }
0x21: {  	[spmem:s2] =	stream.indirect.scatter.add.f32 [tilespmem:s15], [sflag:$0x2], $0x80, s31, s14, $0xb8;
	[tilespmem:$0x1D800] =	vst v63  }
0x22: {  	_ =	swait.ge [sflag:s12], $0x4000  }
0x23: {  	s19 =	simm.s32 $0x400;
	s18 =	simm.s32 $0x200;
	[sflag:s12] =	ssyncset.done $0x0  }
.LBB2_2:
0x24: {  	s20 =	sshra.s32 s18, $0x2  }
0x25: {  	[sflag:s12] =	ssyncadd.s32 $0xFFFFC000;
	s18 =	smov.u32 s19;
	s21 =	sadd.s32 $0x200, s19  }
0x26: {  	[tilespmem:s15], [sflag:$0x1] =	stream.indirect.gather [hbm4b:s4+s14], $0x80, s20, s14, $0xb8;
	[tilespmem:$0x1D800] =	vst v63  }
0x27: {  	p0 =	sne.s32 s19, $0xA200;
	_ =	swait.ge [sflag:s16], $0x4000  }
.Ltmp0:
0x28: {  	[sflag:s16] =	ssyncset.done $0x0;
	(pc) =	sbr.rel @p0 .LBB2_2-.Ltmp0, $4  }
0x29: {  	s19 =	sadd.s32 $0x2C00, s20;
	[sflag:s16] =	ssyncadd.s32 $0xFFFFC000  }
0x2a: {  	[spmem:s2] =	stream.indirect.scatter.add.f32 [tilespmem:s15], [sflag:$0x2], $0x80, s19, s14, $0xb8;
	[tilespmem:$0x1D800] =	vst v63  }
0x2b: {  	_ =	swait.ge [sflag:s12], $0x4000  }
0x2c: {  	s19 =	smov.u32 s21;
	[sflag:s12] =	ssyncset.done $0x0  }
0x2d: {  	s18 =	sshra.s32 s18, $0x2;
	[sflag:s12] =	ssyncadd.s32 $0xFFFFC000  }
0x2e: {  	[tilespmem:s15], [sflag:$0x1] =	stream.indirect.gather [hbm4b:s4+s14], $0x80, s18, s14, $0xb8;
	[tilespmem:$0x1D800] =	vst v63  }
0x2f: {  	_ =	swait.ge [sflag:s16], $0x4000  }
0x30: {  	[sflag:s16] =	ssyncset.done $0x0  }
0x31: {  	s18 =	sadd.s32 $0x2C00, s18;
	[sflag:s16] =	ssyncadd.s32 $0xFFFFC000  }
0x32: {  	[spmem:s2] =	stream.indirect.scatter.add.f32 [tilespmem:s15], [sflag:$0x2], $0x80, s18, s14, $0xb8;
	[tilespmem:$0x1D800] =	vst v63  }
0x33: {  	_ =	swait.ge [sflag:s12], $0x4000  }
0x34: {  	s17 =	sadd.s32 $0x1, s17;
	[sflag:s12] =	ssyncset.done $0x0  }
0x35: {  	p0 =	sne.s32 s17, s10;
	[sflag:s12] =	ssyncadd.s32 $0xFFFFC000  }
.Ltmp1:
0x36: {  	[bflag:$0x0] =	sbarrier.arrive $0xFFFF;
	(pc) =	sbr.rel @p0 .LBB2_1-.Ltmp1, $4  }
0x37: {  	[hbm:s9], [sflag:s6] =	dma.local [spmem:s11], $0x2800  }
0x38: {  	_ =	swait.ge [sflag:s12], $0x2800  }
0x39: {  	[sflag:s12] =	ssyncset.done $0x0  }
0x3a: {  	[sflag:s12] =	ssyncadd.s32 $0xFFFFD800  }
0x3b: {  	_ =	sfence.sel $0x180000  }
0x3c: {  	[bflag:$0x0] =	sbarrier.arrive $0xFFFF  }
0x3d: {  	p0 =	sne.s32 s1, $0x0;
	_ =	strace $0x9000004D  }
0x3e: {  	s0 =	sadd.s32 @!p0 $0x100000, s0;
	[bflag:$0x2] =	sbarrier.arrive $0xFFFF  }
0x3f: {  	[sflag:s0] =	ssyncadd.tile.s32 @!p0 $0x1;
	_ =	shalt  }
.Lfunc_end2:
_tile_overlayer_lowered:
.L_overlay_start_2:
0x40: {  	(tag) =	ssettag $0x2  }
0x41: {  	s0 =	rddreg [dreg:$0x0];
	s2 =	stileid.u32  }
0x42: {  	s1 =	rddreg [dreg:$0x1];
	p0 =	sne.s32 s2, $0x0  }
0x43: {  	s3 =	rddreg [dreg:$0x2];
	[bflag:$0x3] =	sbarrier.arrive $0xFFFF;
	s2 =	simm.s32 @!p0 $0x1C02  }
0x44: {  	[timem:s3], [sflag:s2] =	dma.local @!p0 [hbm:s0], s1  }
0x45: {  	s0 =	simm.s32 @!p0 $0x2  }
0x46: {  	_ =	swait.ge @!p0 [sflag:s0], s1  }
0x47: {  	s1 =	ssub.s32 @!p0 $0x0, s1;
	[sflag:s0] =	ssyncset.done @!p0 $0x0  }
0x48: {  	[sflag:s0] =	ssyncadd.s32 @!p0 s1  }
0x49: {  	[bflag:$0x3] =	sbarrier.arrive $0xFFFF  }
0x4a: {  	_ =	shalt  }

// kernel: kernel.22.cloned.1.call-start
scs
__scs_entry_jumppad:
0x0: {  	(pc) =	sbr.rel $0x88, $3  }
0x1: {  	(tag) =	ssettag $0x0;
	lr =	simm.s32 $0x1  }
0x2: {  	[smem:$0x3F95] =	sst lr;
	_ =	strace $0xD0000000  }
0x3: {  	_ = 	snop  }
0x4: {  	_ = 	snop  }
0x5: {  	_ = 	snop  }
0x6: {  	_ = 	snop  }
0x7: {  	_ = 	snop  }
__scs_overlays_trampoline_lowered:
0x8: {  	[smem:$0x3FA4] =	sst s0  }
0x9: {  	[smem:$0x3FA5] =	sst s1  }
0xa: {  	[smem:$0x3FA6] =	sst s2  }
0xb: {  	[smem:$0x3FA7] =	sst s3  }
0xc: {  	[smem:$0x3FA8] =	sst s4  }
0xd: {  	[smem:$0x3FA9] =	sst s5  }
0xe: {  	[smem:$0x3FAA] =	sst s6  }
0xf: {  	[smem:$0x3FAB] =	sst s7  }
0x10: {  	[smem:$0x3FAC] =	sst s8  }
0x11: {  	[smem:$0x3FAD] =	sst s9;
	s0 =	simm.s32 @!p0 $0x0  }
0x12: {  	s1 =	sld [smem:$0x3F93];
	s0 =	simm.s32 @p0 $0x1  }
0x13: {  	[smem:$0x3FAE] =	sst s0;
	s0 =	simm.s32 @!p1 $0x0  }
0x14: {  	s2 =	sld [smem:$0x3F92];
	s0 =	simm.s32 @p1 $0x1  }
0x15: {  	[smem:$0x3FAF] =	sst s0;
	s0 =	simm.s32 @!p2 $0x0  }
0x16: {  	s3 =	sld [smem:$0x3FDB];
	s0 =	simm.s32 @p2 $0x1  }
0x17: {  	s4 =	simm.s32 $0x1BF5;
	[smem:$0x3FB1] =	sst s0  }
0x18: {  	s0 =	sld [smem:$0x3F94];
	_ =	swait.ge [sflag:s4], $0x0  }
0x19: {  	s7 =	sld [smem:$0x3F95]  }
0x1a: {  	s8 =	sadd.s32 $0xFFFFE003, lr  }
0x1b: {  	s9 =	sadd.s32 $0xFFFFFEF7, lr;
	s5 =	simm.s32 $0xFFFFFFFF;
	p2 =	slt.u32 s8, $0xFFFFF086  }
0x1c: {  	p1 =	slt.u32 s9, $0xF7A;
	s5 =	simm.s32 @!p2 $0x0  }
0x1d: {  	s5 =	simm.s32 @p1 $0x1;
	p0 =	seq.s32 s7, s2  }
0x1e: {  	s7 =	smul.u32 @!p0 $0xF7A, s2;
	p2 =	seq.s32 @!p0 s5, $0x0  }
0x1f: {  	s9 =	smul.u32 $0xF7A, s1;
	s8 =	simm.s32 @!p0 $0x1BF5;
	p2 =	por !p2, p0  }
0x20: {  	[sflag:s8] =	ssyncset.s32 @!p0 $0xFFFFF086;
	s6 =	sadd.s32 @!p0 s3, s7;
	s7 =	simm.s32 @!p0 $0x108  }
0x21: {  	s3 =	sadd.s32 s3, s9;
	s6 =	sadd.s32 @!p0 $0x88, s6;
	s7 =	simm.s32 @p2 $0x1082  }
0x22: {  	[simem:s7], [sflag:s8] =	dma.local @!p0 [hbm:s6], $0xF7A  }
0x23: {  	s9 =	sor.u32 $0xD0000000, s2;
	s6 =	simm.s32 $0x108;
	_ =	swait.ge @!p0 [sflag:s8], $0x0  }
0x24: {  	s3 =	sadd.s32 $0x88, s3;
	s6 =	simm.s32 @!p1 $0x1082;
	[sflag:s4] =	ssyncset.s32 $0xFFFFF086  }
0x25: {  	[simem:s6], [sflag:s4] =	dma.local [hbm:s3], $0xF7A  }
0x26: {  	[smem:$0x3F95] =	sst s1;
	(tag) =	ssettag s2;
	_ =	strace s9  }
0x27: {  	s1 =	sld [smem:$0x3FA5]  }
0x28: {  	s2 =	sld [smem:$0x3FA6]  }
0x29: {  	s4 =	sld [smem:$0x3FA8]  }
0x2a: {  	p0 =	seq.s32 s5, $0x0;
	s5 =	sld [smem:$0x3FA9]  }
0x2b: {  	s6 =	sld [smem:$0x3FAA]  }
0x2c: {  	s7 =	sld [smem:$0x3FAB]  }
0x2d: {  	s3 =	simm.s32 $0x108;
	s8 =	sld [smem:$0x3FAC]  }
0x2e: {  	s3 =	simm.s32 @!p0 $0x1082;
	s9 =	sld [smem:$0x3FAD]  }
0x2f: {  	lr =	sadd.s32 s0, s3;
	s0 =	sld [smem:$0x3FA4]  }
0x30: {  	s3 =	sld [smem:$0x3FA7]  }
0x31: {  	[smem:$0x3FB0] =	sst s10  }
0x32: {  	s10 =	sld [smem:$0x3FAE];
	_ =	sdelay $0x3  }
0x33: {  	p0 =	seq.s32 s10, $0x1;
	s10 =	sld [smem:$0x3FB0];
	_ =	sdelay $0x3  }
0x34: {  	[smem:$0x3FB0] =	sst s10  }
0x35: {  	s10 =	sld [smem:$0x3FAF];
	_ =	sdelay $0x3  }
0x36: {  	p1 =	seq.s32 s10, $0x1;
	s10 =	sld [smem:$0x3FB0];
	_ =	sdelay $0x3  }
0x37: {  	[smem:$0x3FB0] =	sst s10  }
0x38: {  	s10 =	sld [smem:$0x3FB1]  }
0x39: {  	_ = 	snop;
	(pc) =	sbr.ind lr, $3  }
0x3a: {  	_ = 	snop  }
0x3b: {  	_ = 	snop  }
0x3c: {  	p2 =	seq.s32 s10, $0x1;
	s10 =	sld [smem:$0x3FB0]  }
0x3d: {  	_ =	shalt  }
0x3e: {  	_ =	shalt  }
0x3f: {  	_ =	shalt  }
0x40: {  	_ =	shalt  }
0x41: {  	_ =	shalt  }
0x42: {  	_ =	shalt  }
0x43: {  	_ =	shalt  }
0x44: {  	_ =	shalt  }
0x45: {  	_ =	shalt  }
0x46: {  	_ =	shalt  }
0x47: {  	_ =	shalt  }
0x48: {  	_ =	shalt  }
0x49: {  	_ =	shalt  }
0x4a: {  	_ =	shalt  }
0x4b: {  	_ =	shalt  }
0x4c: {  	_ =	shalt  }
0x4d: {  	_ =	shalt  }
0x4e: {  	_ =	shalt  }
0x4f: {  	_ =	shalt  }
0x50: {  	_ =	shalt  }
0x51: {  	_ =	shalt  }
0x52: {  	_ =	shalt  }
0x53: {  	_ =	shalt  }
0x54: {  	_ =	shalt  }
0x55: {  	_ =	shalt  }
0x56: {  	_ =	shalt  }
0x57: {  	_ =	shalt  }
0x58: {  	_ =	shalt  }
0x59: {  	_ =	shalt  }
0x5a: {  	_ =	shalt  }
0x5b: {  	_ =	shalt  }
0x5c: {  	_ =	shalt  }
0x5d: {  	_ =	shalt  }
0x5e: {  	_ =	shalt  }
0x5f: {  	_ =	shalt  }
0x60: {  	_ =	shalt  }
0x61: {  	_ =	shalt  }
0x62: {  	_ =	shalt  }
0x63: {  	_ =	shalt  }
0x64: {  	_ =	shalt  }
0x65: {  	_ =	shalt  }
0x66: {  	_ =	shalt  }
0x67: {  	_ =	shalt  }
0x68: {  	_ =	shalt  }
0x69: {  	_ =	shalt  }
0x6a: {  	_ =	shalt  }
0x6b: {  	_ =	shalt  }
0x6c: {  	_ =	shalt  }
0x6d: {  	_ =	shalt  }
0x6e: {  	_ =	shalt  }
0x6f: {  	_ =	shalt  }
0x70: {  	_ =	shalt  }
0x71: {  	_ =	shalt  }
0x72: {  	_ =	shalt  }
0x73: {  	_ =	shalt  }
0x74: {  	_ =	shalt  }
0x75: {  	_ =	shalt  }
0x76: {  	_ =	shalt  }
0x77: {  	_ =	shalt  }
0x78: {  	_ =	shalt  }
0x79: {  	_ =	shalt  }
0x7a: {  	_ =	shalt  }
0x7b: {  	_ =	shalt  }
0x7c: {  	_ =	shalt  }
0x7d: {  	_ =	shalt  }
0x7e: {  	_ =	shalt  }
0x7f: {  	_ =	shalt  }
0x80: {  	_ =	shalt  }
0x81: {  	_ =	shalt  }
0x82: {  	_ =	shalt  }
0x83: {  	_ =	shalt  }
0x84: {  	_ =	shalt  }
0x85: {  	_ =	shalt  }
0x86: {  	_ =	shalt  }
0x87: {  	_ =	shalt  }
.Lfunc_end0:
.L_simem_size_0:
called_computation.3_lowered:
.L_overlay_start_0:
0x88: {  	s2 =	sld [smem:$0x3FD9]  }
0x89: {  	s3 =	sld [smem:$0x3FFE];
	_ =	sdelay $0x1  }
0x8a: {  	s1 =	srdreg.scid  }
0x8b: {  	s0 =	sand.u32 $0x1, s1  }
0x8c: {  	s14 =	sshll.u32 s0, $0xA;
	s2 =	sadd.s32 s3, s2  }
0x8d: {  	s2 =	sadd.s32 s2, s14  }
0x8e: {  	[smem:$0x3FBC] =	sst s2  }
0x8f: {  	_ = 	snop  }
0x90: {  	s2 =	sld [smem:$0x3FD0];
	_ =	sdelay $0x2  }
0x91: {  	s15 =	simm.s32 $0xA;
	s4 =	simm.s32 $0x10  }
0x92: {  	[smem:s4], [sflag:s15] =	dma.local [hbm:s2], $0x1  }
0x93: {  	_ =	swait.eq [sflag:s15], $0x1  }
0x94: {  	[sflag:s15] =	ssyncset.done $0x0  }
0x95: {  	s16 =	sld [smem:$0x10];
	[sflag:s15] =	ssyncadd.s32 $0xFFFFFFFF  }
0x96: {  	s17 =	sld [smem:$0x11];
	(tm) =	ssettm $0x1  }
0x97: {  	s18 =	sld [smem:$0x3FFB];
	_ =	sdelay $0x3  }
0x98: {  	_ =	strace s18  }
0x99: {  	s4 =	sld [smem:$0x3FFC];
	_ =	sdelay $0x3  }
0x9a: {  	_ =	strace s4  }
0x9b: {  	s4 =	sld [smem:$0x3FFD];
	_ =	sdelay $0x3  }
0x9c: {  	_ =	strace s4  }
0x9d: {  	_ =	strace $0x8FFFFFFF  }
0x9e: {  	s19 =	sld [smem:$0x3FDB];
	_ =	sdelay $0x1  }
0x9f: {  	s5 =	simm.s32 $_scs_section_size  }
0xa0: {  	s6 =	simm.s32 $_size__tile_overlayer_lowered;
	s7 =	simm.s32 $_tile_overlayer_lowered  }
0xa1: {  	s22 =	simm.s32 $0x1BFF;
	s21 =	sshll.u32 s7, $0x1;
	s4 =	sadd.s32 s5, s19  }
0xa2: {  	s8 =	simm.s32 $0x0;
	s20 =	sshll.u32 s6, $0x1;
	s6 =	sadd.s32 s21, s4  }
0xa3: {  	[timem:s8], [sflag:s22] =	dma.local [hbm:s6], s20  }
0xa4: {  	_ =	swait.ge [sflag:s22], s20  }
0xa5: {  	s5 =	ssub.s32 $0x0, s20;
	[sflag:s22] =	ssyncset.done $0x0  }
0xa6: {  	[sflag:s22] =	ssyncadd.s32 s5;
	_ =	sdelay $0x1  }
0xa7: {  	s23 =	simm.s32 $0x1B8B  }
0xa8: {  	_ =	swait.ge [sflag:s23], $0x1  }
0xa9: {  	[sflag:s23] =	ssyncset.done $0x0  }
0xaa: {  	s25 =	simm.s32 $0x1B8E;
	s24 =	sld [smem:$0x3FFE];
	[sflag:s23] =	ssyncadd.s32 $0xFFFFFFFF  }
0xab: {  	s26 =	simm.s32 $execute0_lowered;
	[smem:$0x3FD2] =	sst s25  }
0xac: {  	s6 =	sshll.u32 s26, $0x1;
	_ =	strace $0x8000004F;
	[dreg:$0x1] =	wrdreg $0xFFFFFFFF  }
0xad: {  	s28 =	simm.s32 $_size_execute0_lowered;
	s4 =	sadd.s32 s4, s6;
	[dreg:$0x0] =	wrdreg $0x0  }
0xae: {  	s6 =	sshll.u32 s28, $0x1;
	[dreg:$0x2] =	wrdreg s4  }
0xaf: {  	[dreg:$0x3] =	wrdreg s6  }
0xb0: {  	[dreg:$0x4] =	wrdreg $0xC0  }
0xb1: {  	_ =	task [dreg:s8], $0x5FFFF  }
0xb2: {  	[dreg:$0x1] =	wrdreg $0xFFFFFFFF  }
0xb3: {  	[dreg:$0x0] =	wrdreg $0x60  }
0xb4: {  	[dreg:$0x2] =	wrdreg s24  }
0xb5: {  	[dreg:$0x3] =	wrdreg s17  }
0xb6: {  	[dreg:$0x4] =	wrdreg s16  }
0xb7: {  	[dreg:$0x5] =	wrdreg $0x98000  }
0xb8: {  	[dreg:$0x6] =	wrdreg $0x9  }
0xb9: {  	_ =	task.clear_ibuf [dreg:s8], $0x7FFFF;
	_ =	strace $0x9000004F  }
0xba: {  	s29 =	simm.s32 $0x9;
	_ =	strace $0x80000051  }
0xbb: {  	_ =	swait.ge [sflag:s29], $0x1  }
0xbc: {  	[sflag:s29] =	ssyncadd.s32 $0xFFFFFFFF  }
0xbd: {  	_ =	strace $0x90000051  }
0xbe: {  	_ =	sfence  }
0xbf: {  	s30 =	sld [smem:$0x0];
	_ =	sdelay $0x2  }
0xc0: {  	s31 =	sshll.u32 s1, $0xD;
	s1 =	sshrl.u32 s1, $0x2  }
0xc1: {  	s3 =	sand.u32 $0x4000, s31;
	s1 =	sadd.s32 s1, s30  }
0xc2: {  	s0 =	sor.u32 s3, s0;
	s1 =	sshll.u32 s1, $0x11  }
0xc3: {  	s0 =	sor.u32 s1, s0  }
0xc4: {  	s0 =	sadd.s32 $0x8F2B, s0  }
0xc5: {  	[sflag:s0] =	ssyncadd.remote.s32 $0x1  }
0xc6: {  	_ =	sfence.sel $0xFFFF  }
0xc7: {  	[dreg:$0x0] =	wrdreg $0xFFFFFFFF;
	(pc) =	sbr.abs _section_cstart, $3  }
0xc8: {  	[dreg:$0x1] =	wrdreg $0xFFFFFFFF  }
0xc9: {  	_ =	task.clear_ibuf [dreg:s8], $0x2FFFF;
	_ =	strace $0x9FFFFFFF  }
0xca: {  	(tm) =	ssettm $0x7FFFFFFF  }
0xcb: {  	_ =	shalt  }
tec
execute0_lowered:
.L_overlay_start_1:
0x0: {  	(tag) =	ssettag $0x1  }
0x1: {  	s5 =	rddreg [dreg:$0x0]  }
0x2: {  	s8 =	rddreg [dreg:$0x1]  }
0x3: {  	s0 =	srdreg.scid;
	s9 =	rddreg [dreg:$0x2]  }
0x4: {  	s2 =	rddreg [dreg:$0x3];
	s1 =	stileid.u32;
	s3 =	simm.s32 $0x0  }
0x5: {  	s6 =	sand.u32 $0x1, s0;
	s0 =	rddreg [dreg:$0x4];
	s11 =	smul.u32 $0x2800, s1  }
0x6: {  	s17 =	simm.s32 $0x0;
	[smem:$0x7FF] =	sst s3;
	s13 =	smul.u32 $0x50000, s1  }
0x7: {  	s30 =	sshll.u32 s1, $0x6;
	s4 =	sshll.u32 s6, $0x4;
	_ =	strace $0x80000050  }
0x8: {  	s7 =	ssub.s32 $0x2, s6;
	s15 =	smul.u32 $0x28000, s6;
	s6 =	sor.u32 $0x1C02, s30  }
0x9: {  	s4 =	sor.u32 s1, s4;
	s12 =	sshrl.u32 s7, $0x1;
	s29 =	sshrl.u32 s13, $0x2  }
0xa: {  	s13 =	simm.s32 $0x2C00;
	s10 =	smul.u32 $0x580, s4;
	s4 =	sadd.s32 $0x37400, s5  }
0xb: {  	s12 =	ssub.s32 s7, s12;
	s16 =	sadd.s32 s29, s2;
	s31 =	sadd.s32 s11, s15  }
0xc: {  	s15 =	simm.s32 $0x5800;
	s9 =	sadd.s32 s9, s31;
	s14 =	sadd.s32 s10, s5  }
0xd: {  	s5 =	sadd.s32 s11, s5;
	s8 =	sadd.s32 s8, s10;
	s10 =	smax.u32 s12, $0x1  }
0xe: {  	s11 =	sshrl.u32 s16, $0x3;
	s12 =	simm.s32 $0x2;
	s16 =	simm.s32 $0x1  }
0xf: {  	s5 =	sadd.s32 $0x4400, s5;
	s7 =	sadd.s32 $0x2C400, s14;
	s14 =	simm.s32 $0x80  }
.LBB2_1:
0x10: {  	[spmem:s11], [sflag:s6] =	dma.local [hbm:s5], $0x2800  }
0x11: {  	_ =	swait.ge [sflag:s12], $0x2800  }
0x12: {  	[sflag:s12] =	ssyncset.done $0x0  }
0x13: {  	[sflag:s12] =	ssyncadd.s32 $0xFFFFD800  }
0x14: {  	[tilespmem:s3], [sflag:$0x2] =	stream.linear.gather [hbm4b:s7+s3], $0x2900, $0x38;
	[tilespmem:$0x1D800] =	vst v63  }
0x15: {  	_ =	swait.ge [sflag:s12], $0x2900  }
0x16: {  	[sflag:s12] =	ssyncset.done $0x0  }
0x17: {  	[sflag:s12] =	ssyncadd.s32 $0xFFFFD700  }
0x18: {  	[tilespmem:s13], [sflag:$0x2] =	stream.linear.gather [hbm4b:s8+s3], $0x2900, $0x38;
	[tilespmem:$0x1D800] =	vst v63  }
0x19: {  	_ =	swait.ge [sflag:s12], $0x2900  }
0x1a: {  	[sflag:s12] =	ssyncset.done $0x0  }
0x1b: {  	[sflag:s12] =	ssyncadd.s32 $0xFFFFD700  }
0x1c: {  	s18 =	simm.s32 $0x0;
	[bflag:$0x0] =	sbarrier.arrive $0xFFFF  }
0x1d: {  	[tilespmem:s15], [sflag:$0x1] =	stream.indirect.gather [hbm4b:s4+s14], $0x80, s18, s14, $0xb8;
	[tilespmem:$0x1D800] =	vst v63  }
0x1e: {  	_ =	swait.ge [sflag:s16], $0x4000  }
0x1f: {  	[sflag:s16] =	ssyncset.done $0x0  }
0x20: {  	s31 =	simm.s32 $0x2C00;
	[sflag:s16] =	ssyncadd.s32 $0xFFFFC000  }
0x21: {  	[spmem:s2] =	stream.indirect.scatter.add.f32 [tilespmem:s15], [sflag:$0x2], $0x80, s31, s14, $0xb8;
	[tilespmem:$0x1D800] =	vst v63  }
0x22: {  	_ =	swait.ge [sflag:s12], $0x4000  }
0x23: {  	s19 =	simm.s32 $0x400;
	s18 =	simm.s32 $0x200;
	[sflag:s12] =	ssyncset.done $0x0  }
.LBB2_2:
0x24: {  	s20 =	sshra.s32 s18, $0x2  }
0x25: {  	[sflag:s12] =	ssyncadd.s32 $0xFFFFC000;
	s18 =	smov.u32 s19;
	s21 =	sadd.s32 $0x200, s19  }
0x26: {  	[tilespmem:s15], [sflag:$0x1] =	stream.indirect.gather [hbm4b:s4+s14], $0x80, s20, s14, $0xb8;
	[tilespmem:$0x1D800] =	vst v63  }
0x27: {  	p0 =	sne.s32 s19, $0xA200;
	_ =	swait.ge [sflag:s16], $0x4000  }
.Ltmp0:
0x28: {  	[sflag:s16] =	ssyncset.done $0x0;
	(pc) =	sbr.rel @p0 .LBB2_2-.Ltmp0, $4  }
0x29: {  	s19 =	sadd.s32 $0x2C00, s20;
	[sflag:s16] =	ssyncadd.s32 $0xFFFFC000  }
0x2a: {  	[spmem:s2] =	stream.indirect.scatter.add.f32 [tilespmem:s15], [sflag:$0x2], $0x80, s19, s14, $0xb8;
	[tilespmem:$0x1D800] =	vst v63  }
0x2b: {  	_ =	swait.ge [sflag:s12], $0x4000  }
0x2c: {  	s19 =	smov.u32 s21;
	[sflag:s12] =	ssyncset.done $0x0  }
0x2d: {  	s18 =	sshra.s32 s18, $0x2;
	[sflag:s12] =	ssyncadd.s32 $0xFFFFC000  }
0x2e: {  	[tilespmem:s15], [sflag:$0x1] =	stream.indirect.gather [hbm4b:s4+s14], $0x80, s18, s14, $0xb8;
	[tilespmem:$0x1D800] =	vst v63  }
0x2f: {  	_ =	swait.ge [sflag:s16], $0x4000  }
0x30: {  	[sflag:s16] =	ssyncset.done $0x0  }
0x31: {  	s18 =	sadd.s32 $0x2C00, s18;
	[sflag:s16] =	ssyncadd.s32 $0xFFFFC000  }
0x32: {  	[spmem:s2] =	stream.indirect.scatter.add.f32 [tilespmem:s15], [sflag:$0x2], $0x80, s18, s14, $0xb8;
	[tilespmem:$0x1D800] =	vst v63  }
0x33: {  	_ =	swait.ge [sflag:s12], $0x4000  }
0x34: {  	s17 =	sadd.s32 $0x1, s17;
	[sflag:s12] =	ssyncset.done $0x0  }
0x35: {  	p0 =	sne.s32 s17, s10;
	[sflag:s12] =	ssyncadd.s32 $0xFFFFC000  }
.Ltmp1:
0x36: {  	[bflag:$0x0] =	sbarrier.arrive $0xFFFF;
	(pc) =	sbr.rel @p0 .LBB2_1-.Ltmp1, $4  }
0x37: {  	[hbm:s9], [sflag:s6] =	dma.local [spmem:s11], $0x2800  }
0x38: {  	_ =	swait.ge [sflag:s12], $0x2800  }
0x39: {  	[sflag:s12] =	ssyncset.done $0x0  }
0x3a: {  	[sflag:s12] =	ssyncadd.s32 $0xFFFFD800  }
0x3b: {  	_ =	sfence.sel $0x180000  }
0x3c: {  	[bflag:$0x0] =	sbarrier.arrive $0xFFFF  }
0x3d: {  	p0 =	sne.s32 s1, $0x0;
	_ =	strace $0x90000050  }
0x3e: {  	s0 =	sadd.s32 @!p0 $0x100000, s0;
	[bflag:$0x2] =	sbarrier.arrive $0xFFFF  }
0x3f: {  	[sflag:s0] =	ssyncadd.tile.s32 @!p0 $0x1;
	_ =	shalt  }
.Lfunc_end2:
_tile_overlayer_lowered:
.L_overlay_start_2:
0x40: {  	(tag) =	ssettag $0x2  }
0x41: {  	s0 =	rddreg [dreg:$0x0];
	s2 =	stileid.u32  }
0x42: {  	s1 =	rddreg [dreg:$0x1];
	p0 =	sne.s32 s2, $0x0  }
0x43: {  	s3 =	rddreg [dreg:$0x2];
	[bflag:$0x3] =	sbarrier.arrive $0xFFFF;
	s2 =	simm.s32 @!p0 $0x1C02  }
0x44: {  	[timem:s3], [sflag:s2] =	dma.local @!p0 [hbm:s0], s1  }
0x45: {  	s0 =	simm.s32 @!p0 $0x2  }
0x46: {  	_ =	swait.ge @!p0 [sflag:s0], s1  }
0x47: {  	s1 =	ssub.s32 @!p0 $0x0, s1;
	[sflag:s0] =	ssyncset.done @!p0 $0x0  }
0x48: {  	[sflag:s0] =	ssyncadd.s32 @!p0 s1  }
0x49: {  	[bflag:$0x3] =	sbarrier.arrive $0xFFFF  }
0x4a: {  	_ =	shalt  }

// kernel: kernel.25.cloned.1.call-start
scs
__scs_entry_jumppad:
0x0: {  	(pc) =	sbr.rel $0x88, $3  }
0x1: {  	(tag) =	ssettag $0x0;
	lr =	simm.s32 $0x1  }
0x2: {  	[smem:$0x3F95] =	sst lr;
	_ =	strace $0xD0000000  }
0x3: {  	_ = 	snop  }
0x4: {  	_ = 	snop  }
0x5: {  	_ = 	snop  }
0x6: {  	_ = 	snop  }
0x7: {  	_ = 	snop  }
__scs_overlays_trampoline_lowered:
0x8: {  	[smem:$0x3FA4] =	sst s0  }
0x9: {  	[smem:$0x3FA5] =	sst s1  }
0xa: {  	[smem:$0x3FA6] =	sst s2  }
0xb: {  	[smem:$0x3FA7] =	sst s3  }
0xc: {  	[smem:$0x3FA8] =	sst s4  }
0xd: {  	[smem:$0x3FA9] =	sst s5  }
0xe: {  	[smem:$0x3FAA] =	sst s6  }
0xf: {  	[smem:$0x3FAB] =	sst s7  }
0x10: {  	[smem:$0x3FAC] =	sst s8  }
0x11: {  	[smem:$0x3FAD] =	sst s9;
	s0 =	simm.s32 @!p0 $0x0  }
0x12: {  	s1 =	sld [smem:$0x3F93];
	s0 =	simm.s32 @p0 $0x1  }
0x13: {  	[smem:$0x3FAE] =	sst s0;
	s0 =	simm.s32 @!p1 $0x0  }
0x14: {  	s2 =	sld [smem:$0x3F92];
	s0 =	simm.s32 @p1 $0x1  }
0x15: {  	[smem:$0x3FAF] =	sst s0;
	s0 =	simm.s32 @!p2 $0x0  }
0x16: {  	s3 =	sld [smem:$0x3FDB];
	s0 =	simm.s32 @p2 $0x1  }
0x17: {  	s4 =	simm.s32 $0x1BF5;
	[smem:$0x3FB1] =	sst s0  }
0x18: {  	s0 =	sld [smem:$0x3F94];
	_ =	swait.ge [sflag:s4], $0x0  }
0x19: {  	s7 =	sld [smem:$0x3F95]  }
0x1a: {  	s8 =	sadd.s32 $0xFFFFE003, lr  }
0x1b: {  	s9 =	sadd.s32 $0xFFFFFEF7, lr;
	s5 =	simm.s32 $0xFFFFFFFF;
	p2 =	slt.u32 s8, $0xFFFFF086  }
0x1c: {  	p1 =	slt.u32 s9, $0xF7A;
	s5 =	simm.s32 @!p2 $0x0  }
0x1d: {  	s5 =	simm.s32 @p1 $0x1;
	p0 =	seq.s32 s7, s2  }
0x1e: {  	s7 =	smul.u32 @!p0 $0xF7A, s2;
	p2 =	seq.s32 @!p0 s5, $0x0  }
0x1f: {  	s9 =	smul.u32 $0xF7A, s1;
	s8 =	simm.s32 @!p0 $0x1BF5;
	p2 =	por !p2, p0  }
0x20: {  	[sflag:s8] =	ssyncset.s32 @!p0 $0xFFFFF086;
	s6 =	sadd.s32 @!p0 s3, s7;
	s7 =	simm.s32 @!p0 $0x108  }
0x21: {  	s3 =	sadd.s32 s3, s9;
	s6 =	sadd.s32 @!p0 $0x88, s6;
	s7 =	simm.s32 @p2 $0x1082  }
0x22: {  	[simem:s7], [sflag:s8] =	dma.local @!p0 [hbm:s6], $0xF7A  }
0x23: {  	s9 =	sor.u32 $0xD0000000, s2;
	s6 =	simm.s32 $0x108;
	_ =	swait.ge @!p0 [sflag:s8], $0x0  }
0x24: {  	s3 =	sadd.s32 $0x88, s3;
	s6 =	simm.s32 @!p1 $0x1082;
	[sflag:s4] =	ssyncset.s32 $0xFFFFF086  }
0x25: {  	[simem:s6], [sflag:s4] =	dma.local [hbm:s3], $0xF7A  }
0x26: {  	[smem:$0x3F95] =	sst s1;
	(tag) =	ssettag s2;
	_ =	strace s9  }
0x27: {  	s1 =	sld [smem:$0x3FA5]  }
0x28: {  	s2 =	sld [smem:$0x3FA6]  }
0x29: {  	s4 =	sld [smem:$0x3FA8]  }
0x2a: {  	p0 =	seq.s32 s5, $0x0;
	s5 =	sld [smem:$0x3FA9]  }
0x2b: {  	s6 =	sld [smem:$0x3FAA]  }
0x2c: {  	s7 =	sld [smem:$0x3FAB]  }
0x2d: {  	s3 =	simm.s32 $0x108;
	s8 =	sld [smem:$0x3FAC]  }
0x2e: {  	s3 =	simm.s32 @!p0 $0x1082;
	s9 =	sld [smem:$0x3FAD]  }
0x2f: {  	lr =	sadd.s32 s0, s3;
	s0 =	sld [smem:$0x3FA4]  }
0x30: {  	s3 =	sld [smem:$0x3FA7]  }
0x31: {  	[smem:$0x3FB0] =	sst s10  }
0x32: {  	s10 =	sld [smem:$0x3FAE];
	_ =	sdelay $0x3  }
0x33: {  	p0 =	seq.s32 s10, $0x1;
	s10 =	sld [smem:$0x3FB0];
	_ =	sdelay $0x3  }
0x34: {  	[smem:$0x3FB0] =	sst s10  }
0x35: {  	s10 =	sld [smem:$0x3FAF];
	_ =	sdelay $0x3  }
0x36: {  	p1 =	seq.s32 s10, $0x1;
	s10 =	sld [smem:$0x3FB0];
	_ =	sdelay $0x3  }
0x37: {  	[smem:$0x3FB0] =	sst s10  }
0x38: {  	s10 =	sld [smem:$0x3FB1]  }
0x39: {  	_ = 	snop;
	(pc) =	sbr.ind lr, $3  }
0x3a: {  	_ = 	snop  }
0x3b: {  	_ = 	snop  }
0x3c: {  	p2 =	seq.s32 s10, $0x1;
	s10 =	sld [smem:$0x3FB0]  }
0x3d: {  	_ =	shalt  }
0x3e: {  	_ =	shalt  }
0x3f: {  	_ =	shalt  }
0x40: {  	_ =	shalt  }
0x41: {  	_ =	shalt  }
0x42: {  	_ =	shalt  }
0x43: {  	_ =	shalt  }
0x44: {  	_ =	shalt  }
0x45: {  	_ =	shalt  }
0x46: {  	_ =	shalt  }
0x47: {  	_ =	shalt  }
0x48: {  	_ =	shalt  }
0x49: {  	_ =	shalt  }
0x4a: {  	_ =	shalt  }
0x4b: {  	_ =	shalt  }
0x4c: {  	_ =	shalt  }
0x4d: {  	_ =	shalt  }
0x4e: {  	_ =	shalt  }
0x4f: {  	_ =	shalt  }
0x50: {  	_ =	shalt  }
0x51: {  	_ =	shalt  }
0x52: {  	_ =	shalt  }
0x53: {  	_ =	shalt  }
0x54: {  	_ =	shalt  }
0x55: {  	_ =	shalt  }
0x56: {  	_ =	shalt  }
0x57: {  	_ =	shalt  }
0x58: {  	_ =	shalt  }
0x59: {  	_ =	shalt  }
0x5a: {  	_ =	shalt  }
0x5b: {  	_ =	shalt  }
0x5c: {  	_ =	shalt  }
0x5d: {  	_ =	shalt  }
0x5e: {  	_ =	shalt  }
0x5f: {  	_ =	shalt  }
0x60: {  	_ =	shalt  }
0x61: {  	_ =	shalt  }
0x62: {  	_ =	shalt  }
0x63: {  	_ =	shalt  }
0x64: {  	_ =	shalt  }
0x65: {  	_ =	shalt  }
0x66: {  	_ =	shalt  }
0x67: {  	_ =	shalt  }
0x68: {  	_ =	shalt  }
0x69: {  	_ =	shalt  }
0x6a: {  	_ =	shalt  }
0x6b: {  	_ =	shalt  }
0x6c: {  	_ =	shalt  }
0x6d: {  	_ =	shalt  }
0x6e: {  	_ =	shalt  }
0x6f: {  	_ =	shalt  }
0x70: {  	_ =	shalt  }
0x71: {  	_ =	shalt  }
0x72: {  	_ =	shalt  }
0x73: {  	_ =	shalt  }
0x74: {  	_ =	shalt  }
0x75: {  	_ =	shalt  }
0x76: {  	_ =	shalt  }
0x77: {  	_ =	shalt  }
0x78: {  	_ =	shalt  }
0x79: {  	_ =	shalt  }
0x7a: {  	_ =	shalt  }
0x7b: {  	_ =	shalt  }
0x7c: {  	_ =	shalt  }
0x7d: {  	_ =	shalt  }
0x7e: {  	_ =	shalt  }
0x7f: {  	_ =	shalt  }
0x80: {  	_ =	shalt  }
0x81: {  	_ =	shalt  }
0x82: {  	_ =	shalt  }
0x83: {  	_ =	shalt  }
0x84: {  	_ =	shalt  }
0x85: {  	_ =	shalt  }
0x86: {  	_ =	shalt  }
0x87: {  	_ =	shalt  }
.Lfunc_end0:
.L_simem_size_0:
called_computation.4_lowered:
.L_overlay_start_0:
0x88: {  	s2 =	sld [smem:$0x3FD9]  }
0x89: {  	s3 =	sld [smem:$0x3FFE];
	_ =	sdelay $0x1  }
0x8a: {  	s1 =	srdreg.scid  }
0x8b: {  	s0 =	sand.u32 $0x1, s1  }
0x8c: {  	s14 =	sshll.u32 s0, $0xA;
	s2 =	sadd.s32 s3, s2  }
0x8d: {  	s2 =	sadd.s32 s2, s14  }
0x8e: {  	[smem:$0x3FBC] =	sst s2  }
0x8f: {  	_ = 	snop  }
0x90: {  	s2 =	sld [smem:$0x3FD0];
	_ =	sdelay $0x2  }
0x91: {  	s15 =	simm.s32 $0xA;
	s4 =	simm.s32 $0x10  }
0x92: {  	[smem:s4], [sflag:s15] =	dma.local [hbm:s2], $0x1  }
0x93: {  	_ =	swait.eq [sflag:s15], $0x1  }
0x94: {  	[sflag:s15] =	ssyncset.done $0x0  }
0x95: {  	[sflag:s15] =	ssyncadd.s32 $0xFFFFFFFF  }
0x96: {  	s16 =	sld [smem:$0x11];
	(tm) =	ssettm $0x1  }
0x97: {  	s17 =	sld [smem:$0x3FFB];
	_ =	sdelay $0x3  }
0x98: {  	_ =	strace s17  }
0x99: {  	s3 =	sld [smem:$0x3FFC];
	_ =	sdelay $0x3  }
0x9a: {  	_ =	strace s3  }
0x9b: {  	s3 =	sld [smem:$0x3FFD];
	_ =	sdelay $0x3  }
0x9c: {  	_ =	strace s3  }
0x9d: {  	_ =	strace $0x8FFFFFFF  }
0x9e: {  	s18 =	sld [smem:$0x3FDB];
	_ =	sdelay $0x1  }
0x9f: {  	s19 =	simm.s32 $_scs_section_size  }
0xa0: {  	s5 =	simm.s32 $_size__tile_overlayer_lowered;
	s6 =	simm.s32 $_tile_overlayer_lowered  }
0xa1: {  	s22 =	simm.s32 $0x1BFF;
	s21 =	sshll.u32 s6, $0x1;
	s3 =	sadd.s32 s19, s18  }
0xa2: {  	s7 =	simm.s32 $0x0;
	s20 =	sshll.u32 s5, $0x1;
	s5 =	sadd.s32 s21, s3  }
0xa3: {  	[timem:s7], [sflag:s22] =	dma.local [hbm:s5], s20  }
0xa4: {  	_ =	swait.ge [sflag:s22], s20  }
0xa5: {  	s4 =	ssub.s32 $0x0, s20;
	[sflag:s22] =	ssyncset.done $0x0  }
0xa6: {  	[sflag:s22] =	ssyncadd.s32 s4;
	_ =	sdelay $0x1  }
0xa7: {  	s23 =	simm.s32 $0x1B8B  }
0xa8: {  	_ =	swait.ge [sflag:s23], $0x1  }
0xa9: {  	[sflag:s23] =	ssyncset.done $0x0  }
0xaa: {  	s25 =	simm.s32 $0x1B8E;
	s24 =	sld [smem:$0x3FFE];
	[sflag:s23] =	ssyncadd.s32 $0xFFFFFFFF  }
0xab: {  	s26 =	simm.s32 $execute0_lowered;
	[smem:$0x3FD2] =	sst s25  }
0xac: {  	s5 =	sshll.u32 s26, $0x1;
	_ =	strace $0x80000052;
	[dreg:$0x1] =	wrdreg $0xFFFFFFFF  }
0xad: {  	s28 =	simm.s32 $_size_execute0_lowered;
	s3 =	sadd.s32 s3, s5;
	[dreg:$0x0] =	wrdreg $0x0  }
0xae: {  	s5 =	sshll.u32 s28, $0x1;
	[dreg:$0x2] =	wrdreg s3  }
0xaf: {  	[dreg:$0x3] =	wrdreg s5  }
0xb0: {  	[dreg:$0x4] =	wrdreg $0xC0  }
0xb1: {  	_ =	task [dreg:s7], $0x5FFFF  }
0xb2: {  	[dreg:$0x1] =	wrdreg $0xFFFFFFFF  }
0xb3: {  	[dreg:$0x0] =	wrdreg $0x60  }
0xb4: {  	[dreg:$0x2] =	wrdreg s24  }
0xb5: {  	[dreg:$0x3] =	wrdreg s16  }
0xb6: {  	[dreg:$0x4] =	wrdreg $0x98000  }
0xb7: {  	[dreg:$0x5] =	wrdreg $0x9  }
0xb8: {  	_ =	task.clear_ibuf [dreg:s7], $0x6FFFF;
	_ =	strace $0x90000052  }
0xb9: {  	s29 =	simm.s32 $0x9;
	_ =	strace $0x80000054  }
0xba: {  	_ =	swait.ge [sflag:s29], $0x1  }
0xbb: {  	[sflag:s29] =	ssyncadd.s32 $0xFFFFFFFF  }
0xbc: {  	_ =	strace $0x90000054  }
0xbd: {  	_ =	sfence  }
0xbe: {  	s30 =	sld [smem:$0x0];
	_ =	sdelay $0x2  }
0xbf: {  	s31 =	sshll.u32 s1, $0xD;
	s1 =	sshrl.u32 s1, $0x2  }
0xc0: {  	s3 =	sand.u32 $0x4000, s31;
	s1 =	sadd.s32 s1, s30  }
0xc1: {  	s0 =	sor.u32 s3, s0;
	s1 =	sshll.u32 s1, $0x11  }
0xc2: {  	s0 =	sor.u32 s1, s0  }
0xc3: {  	s0 =	sadd.s32 $0x8F2B, s0  }
0xc4: {  	[sflag:s0] =	ssyncadd.remote.s32 $0x1  }
0xc5: {  	_ =	sfence.sel $0xFFFF  }
0xc6: {  	[dreg:$0x0] =	wrdreg $0xFFFFFFFF;
	(pc) =	sbr.abs _section_cstart, $3  }
0xc7: {  	[dreg:$0x1] =	wrdreg $0xFFFFFFFF  }
0xc8: {  	_ =	task.clear_ibuf [dreg:s7], $0x2FFFF;
	_ =	strace $0x9FFFFFFF  }
0xc9: {  	(tm) =	ssettm $0x7FFFFFFF  }
tec
execute0_lowered:
.L_overlay_start_1:
0x0: {  	(tag) =	ssettag $0x1  }
0x1: {  	s5 =	rddreg [dreg:$0x0]  }
0x2: {  	s8 =	rddreg [dreg:$0x1]  }
0x3: {  	s0 =	srdreg.scid;
	s2 =	rddreg [dreg:$0x2]  }
0x4: {  	s3 =	simm.s32 $0x0;
	s6 =	sand.u32 $0x1, s0;
	s0 =	stileid.u32  }
0x5: {  	s15 =	simm.s32 $0x5800;
	s16 =	simm.s32 $0x1;
	s7 =	smul.u32 $0x2800, s0  }
0x6: {  	s17 =	simm.s32 $0x0;
	[smem:$0x7FF] =	sst s3;
	s10 =	smul.u32 $0x28000, s6  }
0x7: {  	s1 =	sshll.u32 s6, $0x4;
	s6 =	ssub.s32 $0x2, s6;
	s12 =	smul.u32 $0x50000, s0  }
0x8: {  	s31 =	sshll.u32 s0, $0x6;
	s4 =	sor.u32 s0, s1;
	s1 =	rddreg [dreg:$0x3]  }
0x9: {  	_ =	strace $0x80000053;
	s29 =	sshrl.u32 s6, $0x1;
	s9 =	smul.u32 $0x580, s4  }
0xa: {  	s4 =	sadd.s32 $0x37400, s5;
	s13 =	sadd.s32 s7, s5;
	s7 =	sadd.s32 s7, s10  }
0xb: {  	s10 =	ssub.s32 s6, s29;
	s30 =	sshrl.u32 s12, $0x2;
	s6 =	sor.u32 $0x1C02, s31  }
0xc: {  	s14 =	sadd.s32 s7, s5;
	s12 =	sadd.s32 s30, s2;
	s10 =	smax.u32 s10, $0x1  }
0xd: {  	s11 =	sadd.s32 s9, s5;
	s5 =	sadd.s32 $0x4400, s13;
	s8 =	sadd.s32 s8, s9  }
0xe: {  	s9 =	sadd.s32 $0x5F400, s14;
	s13 =	simm.s32 $0x2C00;
	s14 =	simm.s32 $0x80  }
0xf: {  	s7 =	sadd.s32 $0x2C400, s11;
	s11 =	sshrl.u32 s12, $0x3;
	s12 =	simm.s32 $0x2  }
.LBB2_1:
0x10: {  	[spmem:s11], [sflag:s6] =	dma.local [hbm:s5], $0x2800  }
0x11: {  	_ =	swait.ge [sflag:s12], $0x2800  }
0x12: {  	[sflag:s12] =	ssyncset.done $0x0  }
0x13: {  	[sflag:s12] =	ssyncadd.s32 $0xFFFFD800  }
0x14: {  	[tilespmem:s3], [sflag:$0x2] =	stream.linear.gather [hbm4b:s7+s3], $0x2900, $0x38;
	[tilespmem:$0x1D800] =	vst v63  }
0x15: {  	_ =	swait.ge [sflag:s12], $0x2900  }
0x16: {  	[sflag:s12] =	ssyncset.done $0x0  }
0x17: {  	[sflag:s12] =	ssyncadd.s32 $0xFFFFD700  }
0x18: {  	[tilespmem:s13], [sflag:$0x2] =	stream.linear.gather [hbm4b:s8+s3], $0x2900, $0x38;
	[tilespmem:$0x1D800] =	vst v63  }
0x19: {  	_ =	swait.ge [sflag:s12], $0x2900  }
0x1a: {  	[sflag:s12] =	ssyncset.done $0x0  }
0x1b: {  	[sflag:s12] =	ssyncadd.s32 $0xFFFFD700  }
0x1c: {  	s18 =	simm.s32 $0x0;
	[bflag:$0x0] =	sbarrier.arrive $0xFFFF  }
0x1d: {  	[tilespmem:s15], [sflag:$0x1] =	stream.indirect.gather [hbm4b:s4+s14], $0x80, s18, s14, $0xb8;
	[tilespmem:$0x1D800] =	vst v63  }
0x1e: {  	_ =	swait.ge [sflag:s16], $0x4000  }
0x1f: {  	[sflag:s16] =	ssyncset.done $0x0  }
0x20: {  	s31 =	simm.s32 $0x2C00;
	[sflag:s16] =	ssyncadd.s32 $0xFFFFC000  }
0x21: {  	[spmem:s2] =	stream.indirect.scatter.add.f32 [tilespmem:s15], [sflag:$0x2], $0x80, s31, s14, $0xb8;
	[tilespmem:$0x1D800] =	vst v63  }
0x22: {  	_ =	swait.ge [sflag:s12], $0x4000  }
0x23: {  	s19 =	simm.s32 $0x400;
	s18 =	simm.s32 $0x200;
	[sflag:s12] =	ssyncset.done $0x0  }
.LBB2_2:
0x24: {  	s20 =	sshra.s32 s18, $0x2  }
0x25: {  	[sflag:s12] =	ssyncadd.s32 $0xFFFFC000;
	s18 =	smov.u32 s19;
	s21 =	sadd.s32 $0x200, s19  }
0x26: {  	[tilespmem:s15], [sflag:$0x1] =	stream.indirect.gather [hbm4b:s4+s14], $0x80, s20, s14, $0xb8;
	[tilespmem:$0x1D800] =	vst v63  }
0x27: {  	p0 =	sne.s32 s19, $0xA200;
	_ =	swait.ge [sflag:s16], $0x4000  }
.Ltmp0:
0x28: {  	[sflag:s16] =	ssyncset.done $0x0;
	(pc) =	sbr.rel @p0 .LBB2_2-.Ltmp0, $4  }
0x29: {  	s19 =	sadd.s32 $0x2C00, s20;
	[sflag:s16] =	ssyncadd.s32 $0xFFFFC000  }
0x2a: {  	[spmem:s2] =	stream.indirect.scatter.add.f32 [tilespmem:s15], [sflag:$0x2], $0x80, s19, s14, $0xb8;
	[tilespmem:$0x1D800] =	vst v63  }
0x2b: {  	_ =	swait.ge [sflag:s12], $0x4000  }
0x2c: {  	s19 =	smov.u32 s21;
	[sflag:s12] =	ssyncset.done $0x0  }
0x2d: {  	s18 =	sshra.s32 s18, $0x2;
	[sflag:s12] =	ssyncadd.s32 $0xFFFFC000  }
0x2e: {  	[tilespmem:s15], [sflag:$0x1] =	stream.indirect.gather [hbm4b:s4+s14], $0x80, s18, s14, $0xb8;
	[tilespmem:$0x1D800] =	vst v63  }
0x2f: {  	_ =	swait.ge [sflag:s16], $0x4000  }
0x30: {  	[sflag:s16] =	ssyncset.done $0x0  }
0x31: {  	s18 =	sadd.s32 $0x2C00, s18;
	[sflag:s16] =	ssyncadd.s32 $0xFFFFC000  }
0x32: {  	[spmem:s2] =	stream.indirect.scatter.add.f32 [tilespmem:s15], [sflag:$0x2], $0x80, s18, s14, $0xb8;
	[tilespmem:$0x1D800] =	vst v63  }
0x33: {  	_ =	swait.ge [sflag:s12], $0x4000  }
0x34: {  	s17 =	sadd.s32 $0x1, s17;
	[sflag:s12] =	ssyncset.done $0x0  }
0x35: {  	p0 =	sne.s32 s17, s10;
	[sflag:s12] =	ssyncadd.s32 $0xFFFFC000  }
.Ltmp1:
0x36: {  	[bflag:$0x0] =	sbarrier.arrive $0xFFFF;
	(pc) =	sbr.rel @p0 .LBB2_1-.Ltmp1, $4  }
0x37: {  	[hbm:s9], [sflag:s6] =	dma.local [spmem:s11], $0x2800  }
0x38: {  	_ =	swait.ge [sflag:s12], $0x2800  }
0x39: {  	[sflag:s12] =	ssyncset.done $0x0  }
0x3a: {  	[sflag:s12] =	ssyncadd.s32 $0xFFFFD800  }
0x3b: {  	_ =	sfence.sel $0x180000  }
0x3c: {  	[bflag:$0x0] =	sbarrier.arrive $0xFFFF  }
0x3d: {  	p0 =	sne.s32 s0, $0x0;
	_ =	strace $0x90000053  }
0x3e: {  	s0 =	sadd.s32 @!p0 $0x100000, s1;
	[bflag:$0x2] =	sbarrier.arrive $0xFFFF  }
0x3f: {  	[sflag:s0] =	ssyncadd.tile.s32 @!p0 $0x1;
	_ =	shalt  }
.Lfunc_end2:
_tile_overlayer_lowered:
.L_overlay_start_2:
0x40: {  	(tag) =	ssettag $0x2  }
0x41: {  	s0 =	rddreg [dreg:$0x0];
	s2 =	stileid.u32  }
0x42: {  	s1 =	rddreg [dreg:$0x1];
	p0 =	sne.s32 s2, $0x0  }
0x43: {  	s3 =	rddreg [dreg:$0x2];
	[bflag:$0x3] =	sbarrier.arrive $0xFFFF;
	s2 =	simm.s32 @!p0 $0x1C02  }
0x44: {  	[timem:s3], [sflag:s2] =	dma.local @!p0 [hbm:s0], s1  }
0x45: {  	s0 =	simm.s32 @!p0 $0x2  }
0x46: {  	_ =	swait.ge @!p0 [sflag:s0], s1  }
0x47: {  	s1 =	ssub.s32 @!p0 $0x0, s1;
	[sflag:s0] =	ssyncset.done @!p0 $0x0  }
0x48: {  	[sflag:s0] =	ssyncadd.s32 @!p0 s1  }
0x49: {  	[bflag:$0x3] =	sbarrier.arrive $0xFFFF  }
0x4a: {  	_ =	shalt  }

</sc_bundles>
